<compile_context>
chip_gen: v7x
topology: tpu7x:2x2x1
jax: 0.10.2.dev20260603
libtpu: 0.0.44.dev20260713+nightly
codegen_flags: <defaults>
</compile_context>

<pallas_src>
import functools

import jax
import jax.numpy as jnp
from jax import lax
from jax.experimental import pallas as pl
from jax.experimental.pallas import tpu as pltpu
from jax.experimental.pallas import tpu_sc as plsc

MODEL_DIM = 768
FFN_DIM = 768
NUM_EXPERTS = 64
CAPACITY = 64
TOKENS = 2 * 2048
TB = 256

_SC_INFO = plsc.get_sparse_core_info()
_NW = _SC_INFO.num_cores * _SC_INFO.num_subcores
_RPW = TOKENS // _NW


def _router_dispatch_body(x_ref, wr_ref, logits_ref, probs_ref, occ_ref,
                          tok_ref, ptb_ref, ei_ref, eis_ref, carry_ref):
    g = pl.program_id(0)
    E = NUM_EXPERTS

    @pl.when(g == 0)
    def _init():
        carry_ref[...] = jnp.zeros_like(carry_ref)
        occ_ref[...] = jnp.zeros_like(occ_ref)
        tok_ref[...] = jnp.zeros_like(tok_ref)
        ptb_ref[...] = jnp.zeros_like(ptb_ref)

    xb = x_ref[...]
    logits = jnp.dot(xb, wr_ref[...], preferred_element_type=jnp.float32)
    logits_ref[...] = logits
    m = jnp.max(logits, axis=1, keepdims=True)
    ex = jnp.exp(logits - m)
    probs = ex / jnp.sum(ex, axis=1, keepdims=True)
    probs_ref[...] = probs

    lane = jax.lax.broadcasted_iota(jnp.int32, (TB, E), 1)
    top_i = jnp.min(jnp.where(logits == m, lane, E), axis=1)
    top_p = jnp.max(probs, axis=1)
    oh_e = (lane == top_i[:, None]).astype(jnp.float32)

    cs = oh_e
    k = 1
    while k < TB:
        cs = cs + jnp.concatenate(
            [jnp.zeros((k, E), jnp.float32), cs[:-k, :]], axis=0)
        k *= 2
    pos_mat = cs - oh_e + carry_ref[0:1, :]
    carry_ref[0:1, :] = carry_ref[0:1, :] + cs[TB - 1:TB, :]
    pos_t = jnp.sum(pos_mat * oh_e, axis=1)

    cap_lane = jax.lax.broadcasted_iota(jnp.int32, (TB, CAPACITY), 1)
    pos_i = pos_t.astype(jnp.int32)
    oh_c = (cap_lane == pos_i[:, None]).astype(jnp.float32)
    tok_id = (jax.lax.broadcasted_iota(jnp.int32, (TB, 1), 0)
              + g * TB).astype(jnp.float32)
    dn = (((0,), (0,)), ((), ()))
    hi = jax.lax.Precision.HIGHEST
    occ_ref[...] += jax.lax.dot_general(
        oh_e, oh_c, dn, precision=hi, preferred_element_type=jnp.float32)
    tok_ref[...] += jax.lax.dot_general(
        oh_e, oh_c * tok_id, dn, precision=hi, preferred_element_type=jnp.float32)
    ptb_ref[...] += jax.lax.dot_general(
        oh_e, oh_c * top_p[:, None], dn, precision=hi,
        preferred_element_type=jnp.float32)

    @pl.when(g == pl.num_programs(0) - 1)
    def _finalize():
        filled = occ_ref[...] > 0.5
        tok_i = tok_ref[...].astype(jnp.int32)
        ei_ref[...] = jnp.where(filled, tok_i, -1)
        eis_ref[...] = jnp.where(filled, tok_i, 0)


def _make_sc_gather(T, D):
    mesh = plsc.VectorSubcoreMesh(core_axis_name="c", subcore_axis_name="s")

    @functools.partial(
        pl.kernel, mesh=mesh,
        out_type=jax.ShapeDtypeStruct((T, D), jnp.float32),
        scratch_types=[
            pltpu.VMEM((_RPW,), jnp.int32),
            pltpu.VMEM((_RPW, D), jnp.float32),
            pltpu.SemaphoreType.DMA,
        ],
    )
    def sc_gather(idx_hbm, xf_hbm, out_hbm, idx_v, rows_v, sem):
        wid = lax.axis_index("s") * _SC_INFO.num_cores + lax.axis_index("c")
        base = wid * _RPW
        pltpu.sync_copy(idx_hbm.at[pl.ds(base, _RPW)], idx_v)
        pltpu.async_copy(xf_hbm.at[idx_v], rows_v, sem).wait()
        pltpu.sync_copy(rows_v, out_hbm.at[pl.ds(base, _RPW)])

    return sc_gather


def _expert_ffn_body(idx_s, xi_ref, wg_ref, bg_ref, wv_ref, bv_ref,
                     wo_ref, bo_ref, w_ref, out_ref):
    e = pl.program_id(0)

    @pl.when(e == 0)
    def _init():
        out_ref[...] = jnp.zeros_like(out_ref)

    xi = xi_ref[...]
    gate = (jnp.dot(xi, wg_ref[0], preferred_element_type=jnp.float32)
            + bg_ref[0, 0][None, :])
    val = (jnp.dot(xi, wv_ref[0], preferred_element_type=jnp.float32)
           + bv_ref[0, 0][None, :])
    h = val * (gate * jax.nn.sigmoid(gate))
    eo = (jnp.dot(h, wo_ref[0], preferred_element_type=jnp.float32)
          + bo_ref[0, 0][None, :])
    eo = eo * w_ref[0]

    for i in range(CAPACITY):
        t = idx_s[e * CAPACITY + i]
        row = eo[i:i + 1, :]

        @pl.when(t >= 0)
        def _store(row=row, t=t):
            out_ref[pl.ds(t, 1), :] = row


@jax.jit
def kernel(x, W_router, Wg, bg, Wv, bv, Wo, bo):
    B, S, D = x.shape
    T = B * S
    E, C, F = NUM_EXPERTS, CAPACITY, FFN_DIM
    xf = x.reshape(T, D)

    nblk = T // TB
    logits, probs, occ, tok, ptb, ei, eis = pl.pallas_call(
        _router_dispatch_body,
        grid=(nblk,),
        in_specs=[
            pl.BlockSpec((TB, D), lambda g: (g, 0)),
            pl.BlockSpec((D, E), lambda g: (0, 0)),
        ],
        out_specs=[
            pl.BlockSpec((TB, E), lambda g: (g, 0)),
            pl.BlockSpec((TB, E), lambda g: (g, 0)),
            pl.BlockSpec((E, C), lambda g: (0, 0)),
            pl.BlockSpec((E, C), lambda g: (0, 0)),
            pl.BlockSpec((E, C), lambda g: (0, 0)),
            pl.BlockSpec((E, C), lambda g: (0, 0)),
            pl.BlockSpec((E, C), lambda g: (0, 0)),
        ],
        out_shape=[
            jax.ShapeDtypeStruct((T, E), jnp.float32),
            jax.ShapeDtypeStruct((T, E), jnp.float32),
            jax.ShapeDtypeStruct((E, C), jnp.float32),
            jax.ShapeDtypeStruct((E, C), jnp.float32),
            jax.ShapeDtypeStruct((E, C), jnp.float32),
            jax.ShapeDtypeStruct((E, C), jnp.int32),
            jax.ShapeDtypeStruct((E, C), jnp.int32),
        ],
        scratch_shapes=[pltpu.VMEM((8, E), jnp.float32)],
    )(xf, W_router)
    del occ, tok

    expert_indices = ei
    expert_probs = ptb

    xi_all = _make_sc_gather(T, D)(eis.reshape(-1), xf)

    grid_spec = pltpu.PrefetchScalarGridSpec(
        num_scalar_prefetch=1,
        grid=(E,),
        in_specs=[
            pl.BlockSpec((C, D), lambda e, s: (e, 0)),
            pl.BlockSpec((1, D, F), lambda e, s: (e, 0, 0)),
            pl.BlockSpec((1, 1, F), lambda e, s: (e, 0, 0)),
            pl.BlockSpec((1, D, F), lambda e, s: (e, 0, 0)),
            pl.BlockSpec((1, 1, F), lambda e, s: (e, 0, 0)),
            pl.BlockSpec((1, F, D), lambda e, s: (e, 0, 0)),
            pl.BlockSpec((1, 1, D), lambda e, s: (e, 0, 0)),
            pl.BlockSpec((1, C, 1), lambda e, s: (e, 0, 0)),
        ],
        out_specs=pl.BlockSpec((T, D), lambda e, s: (0, 0)),
    )
    out = pl.pallas_call(
        _expert_ffn_body,
        grid_spec=grid_spec,
        out_shape=jax.ShapeDtypeStruct((T, D), jnp.float32),
    )(expert_indices.reshape(-1), xi_all, Wg, bg.reshape(E, 1, F), Wv,
      bv.reshape(E, 1, F), Wo, bo.reshape(E, 1, D),
      expert_probs.reshape(E, C, 1))

    return (out.reshape(B, S, D), logits, probs, expert_probs, expert_indices)

# --- scband reference (transcript-rebuilt; emitter-appended) ---
"""Pipeline reference for scband-sparse-ffn-36326833390147 (READ-ONLY COPY).

The authoritative reference and input builder live on the scoring server;
editing this copy changes nothing except your own understanding.
"""

import jax, jax.numpy as jnp
import numpy as np

MODEL_DIM = 768
FFN_DIM = 768
NUM_EXPERTS = 64
TOP_K = 1
CAPACITY = 64
BATCH = 2
SEQ = 2048


def setup_inputs(seed: int = 0) -> dict:
    key = jax.random.key(seed)
    ks = jax.random.split(key, 6)
    s = 1.0 / np.sqrt(MODEL_DIM)
    so = 1.0 / np.sqrt(FFN_DIM)
    return {
        "x": jax.random.normal(ks[0], (BATCH, SEQ, MODEL_DIM), jnp.float32),
        "W_router": jax.random.normal(ks[1], (MODEL_DIM, NUM_EXPERTS), jnp.float32) * s,
        "Wg": jax.random.normal(ks[2], (NUM_EXPERTS, MODEL_DIM, FFN_DIM), jnp.float32) * s,
        "bg": jnp.zeros((NUM_EXPERTS, FFN_DIM), jnp.float32),
        "Wv": jax.random.normal(ks[3], (NUM_EXPERTS, MODEL_DIM, FFN_DIM), jnp.float32) * s,
        "bv": jnp.zeros((NUM_EXPERTS, FFN_DIM), jnp.float32),
        "Wo": jax.random.normal(ks[4], (NUM_EXPERTS, FFN_DIM, MODEL_DIM), jnp.float32) * so,
        "bo": jnp.zeros((NUM_EXPERTS, MODEL_DIM), jnp.float32),
    }


def _moe_forward(x, W_router, Wg, bg, Wv, bv, Wo, bo):
    B, S, D = x.shape
    T = B * S
    xf = x.reshape(T, D)
    # --- TopK router ---
    router_logits = xf @ W_router                      # (T, E)
    router_probs = jax.nn.softmax(router_logits, axis=-1)
    topk_p, topk_i = jax.lax.top_k(router_probs, TOP_K)  # (T, K)
    flat_e = topk_i.reshape(-1)                        # (T*K,)
    flat_p = topk_p.reshape(-1)
    token_ids = jnp.repeat(jnp.arange(T, dtype=jnp.int32), TOP_K)
    # position of each (token, expert) assignment within its expert queue
    onehot = jax.nn.one_hot(flat_e, NUM_EXPERTS, dtype=jnp.int32)
    pos = jnp.cumsum(onehot, axis=0) - 1               # (T*K, E)
    pos_in_e = jnp.take_along_axis(pos, flat_e[:, None], axis=1)[:, 0]
    valid = pos_in_e < CAPACITY
    safe_pos = jnp.where(valid, pos_in_e, CAPACITY)    # out-of-capacity -> dropped
    expert_indices = jnp.full((NUM_EXPERTS, CAPACITY), -1, jnp.int32).at[flat_e, safe_pos].set(token_ids, mode='drop')
    expert_probs = jnp.zeros((NUM_EXPERTS, CAPACITY), jnp.float32).at[flat_e, safe_pos].set(flat_p, mode='drop')
    # --- expert computation (SwiGLU FFN per expert, gathered tokens) ---
    safe_idx = jnp.maximum(expert_indices, 0)
    xi = jnp.take(xf, safe_idx.reshape(-1), axis=0).reshape(NUM_EXPERTS, CAPACITY, D)
    gate = jnp.einsum('ecd,edf->ecf', xi, Wg) + bg[:, None, :]
    value = jnp.einsum('ecd,edf->ecf', xi, Wv) + bv[:, None, :]
    h = value * jax.nn.silu(gate)
    eo = jnp.einsum('ecf,efd->ecd', h, Wo) + bo[:, None, :]
    w = expert_probs * (expert_indices >= 0).astype(xf.dtype)
    eo = eo * w[:, :, None]
    # scatter-add expert outputs back to token positions (invalid slots have weight 0)
    out = jnp.zeros((T, D), xf.dtype).at[safe_idx.reshape(-1)].add(eo.reshape(-1, D))
    output = out.reshape(B, S, D)
    return output, router_logits, router_probs, expert_probs, expert_indices


def reference(x, W_router, Wg, bg, Wv, bv, Wo, bo):
    output, router_logits, router_probs, expert_probs, expert_indices = _moe_forward(
        x, W_router, Wg, bg, Wv, bv, Wo, bo)
    return output, router_logits, router_probs, expert_probs, expert_indices

if __name__ == "__main__":
    import jax
    _d = setup_inputs()
    print(jax.jit(kernel)(*tuple(_d.values())))

</pallas_src>

<mosaic_0001>
#map = affine_map<(d0, d1) -> (0)>
#map1 = affine_map<(d0, d1) -> (0, 0)>
module attributes {stable_mosaic.version = 14 : i64} {
  func.func @sc_gather(%arg0: i32, %arg1: i32, %arg2: memref<4096xi32, #tpu.memory_space<hbm>>, %arg3: memref<4096x768xf32, #tpu.memory_space<hbm>>, %arg4: memref<4096x768xf32, #tpu.memory_space<hbm>>, %arg5: memref<128xi32, #tpu.memory_space<vmem>>, %arg6: memref<128x768xf32, #tpu.memory_space<vmem>>, %arg7: memref<!tpu.dma_semaphore, #tpu.memory_space<semaphore_mem>>) attributes {dimension_semantics = [#tpu.dimension_semantics<core_parallel>, #tpu.dimension_semantics<subcore_parallel>], iteration_bounds = array<i64: 2, 16>, scalar_prefetch = 0 : i64, scratch_operands = 3 : i64, tpu.core_type = #tpu.core_type<sc_vector_subcore>, window_params = [{transform_indices = #map}, {transform_indices = #map1}, {transform_indices = #map1}]} {
    %mul3A = arith.constant 2 : i32
    %mul3A_0 = arith.muli %arg1, %mul3A : i32
    %add3A = arith.addi %mul3A_0, %arg0 : i32
    %mul3A_1 = arith.constant 128 : i32
    %mul3A_2 = arith.muli %add3A, %mul3A_1 : i32
    "tpu.region"() ({
      %run_scoped3A = tpu.sem_alloc : memref<!tpu.dma_semaphore, #tpu.memory_space<semaphore_mem>>
      %dma_start3A_7 = tpu.memref_slice %arg2[%mul3A_2] : memref<4096xi32, #tpu.memory_space<hbm>> -> memref<128xi32, #tpu.memory_space<hbm>>
      %dma_start3A_8 = tpu.memref_slice %arg2[%mul3A_2] : memref<4096xi32, #tpu.memory_space<hbm>> -> memref<128xi32, #tpu.memory_space<hbm>>
      tpu.enqueue_dma source(%dma_start3A_8 : memref<128xi32, #tpu.memory_space<hbm>>) target(%arg5 : memref<128xi32, #tpu.memory_space<vmem>>) target_semaphore(%run_scoped3A : memref<!tpu.dma_semaphore, #tpu.memory_space<semaphore_mem>>)
      %dma_wait3A_9 = tpu.memref_slice %arg2[%mul3A_2] : memref<4096xi32, #tpu.memory_space<hbm>> -> memref<128xi32, #tpu.memory_space<hbm>>
      %dma_wait3A_10 = tpu.memref_slice %arg2[%mul3A_2] : memref<4096xi32, #tpu.memory_space<hbm>> -> memref<128xi32, #tpu.memory_space<hbm>>
      tpu.wait_dma2 semaphore(%run_scoped3A : memref<!tpu.dma_semaphore, #tpu.memory_space<semaphore_mem>>) src(%dma_wait3A_10 : memref<128xi32, #tpu.memory_space<hbm>>) dst(%arg5 : memref<128xi32, #tpu.memory_space<vmem>>)
      tpu.yield
    }) : () -> ()
    %dma_start3A = arith.constant 0 : i32
    %dma_start3A_3 = arith.constant 0 : i32
    %dma_start3A_4 = tpu.memref_slice %arg3[%dma_start3A, %dma_start3A_3] : memref<4096x768xf32, #tpu.memory_space<hbm>> -> memref<4096x768xf32, #tpu.memory_space<hbm>>
    tpu.enqueue_indirect_dma source(%dma_start3A_4 : memref<4096x768xf32, #tpu.memory_space<hbm>>) target(%arg6 : memref<128x768xf32, #tpu.memory_space<vmem>>) offsets(%arg5 : memref<128xi32, #tpu.memory_space<vmem>>) semaphore(%arg7 : memref<!tpu.dma_semaphore, #tpu.memory_space<semaphore_mem>>)
    %dma_wait3A = arith.constant 0 : i32
    %dma_wait3A_5 = arith.constant 0 : i32
    %dma_wait3A_6 = tpu.memref_slice %arg3[%dma_wait3A, %dma_wait3A_5] : memref<4096x768xf32, #tpu.memory_space<hbm>> -> memref<4096x768xf32, #tpu.memory_space<hbm>>
    tpu.wait_indirect_dma semaphore(%arg7 : memref<!tpu.dma_semaphore, #tpu.memory_space<semaphore_mem>>) src(%dma_wait3A_6 : memref<4096x768xf32, #tpu.memory_space<hbm>>) dst(%arg6 : memref<128x768xf32, #tpu.memory_space<vmem>>)
    "tpu.region"() ({
      %run_scoped3A = tpu.sem_alloc : memref<!tpu.dma_semaphore, #tpu.memory_space<semaphore_mem>>
      %dma_start3A_7 = arith.constant 0 : i32
      %dma_start3A_8 = tpu.memref_slice %arg4[%mul3A_2, %dma_start3A_7] : memref<4096x768xf32, #tpu.memory_space<hbm>> -> memref<128x768xf32, #tpu.memory_space<hbm>>
      %dma_start3A_9 = arith.constant 0 : i32
      %dma_start3A_10 = tpu.memref_slice %arg4[%mul3A_2, %dma_start3A_9] : memref<4096x768xf32, #tpu.memory_space<hbm>> -> memref<128x768xf32, #tpu.memory_space<hbm>>
      tpu.enqueue_dma source(%arg6 : memref<128x768xf32, #tpu.memory_space<vmem>>) target(%dma_start3A_10 : memref<128x768xf32, #tpu.memory_space<hbm>>) target_semaphore(%run_scoped3A : memref<!tpu.dma_semaphore, #tpu.memory_space<semaphore_mem>>)
      %dma_wait3A_11 = arith.constant 0 : i32
      %dma_wait3A_12 = tpu.memref_slice %arg4[%mul3A_2, %dma_wait3A_11] : memref<4096x768xf32, #tpu.memory_space<hbm>> -> memref<128x768xf32, #tpu.memory_space<hbm>>
      %dma_wait3A_13 = arith.constant 0 : i32
      %dma_wait3A_14 = tpu.memref_slice %arg4[%mul3A_2, %dma_wait3A_13] : memref<4096x768xf32, #tpu.memory_space<hbm>> -> memref<128x768xf32, #tpu.memory_space<hbm>>
      tpu.wait_dma2 semaphore(%run_scoped3A : memref<!tpu.dma_semaphore, #tpu.memory_space<semaphore_mem>>) src(%arg6 : memref<128x768xf32, #tpu.memory_space<vmem>>) dst(%dma_wait3A_14 : memref<128x768xf32, #tpu.memory_space<hbm>>)
      tpu.yield
    }) : () -> ()
    return
  }
}

module attributes {stable_mosaic.version = 14 : i64} {
  func.func @_router_dispatch_body(%arg0: i32, %arg1: memref<256x768xf32, #tpu.memory_space<vmem>>, %arg2: memref<768x64xf32, #tpu.memory_space<vmem>>, %arg3: memref<256x64xf32, #tpu.memory_space<vmem>>, %arg4: memref<256x64xf32, #tpu.memory_space<vmem>>, %arg5: memref<64x64xf32, #tpu.memory_space<vmem>>, %arg6: memref<64x64xf32, #tpu.memory_space<vmem>>, %arg7: memref<64x64xf32, #tpu.memory_space<vmem>>, %arg8: memref<64x64xi32, #tpu.memory_space<vmem>>, %arg9: memref<64x64xi32, #tpu.memory_space<vmem>>, %arg10: memref<8x64xf32, #tpu.memory_space<vmem>>) attributes {dimension_semantics = [#tpu.dimension_semantics<arbitrary>], iteration_bounds = array<i64: 16>, scalar_prefetch = 0 : i64, scratch_operands = 1 : i64, tpu.core_type = #tpu.core_type<tc>, window_params = [{transform_indices = @transform_0, window_bounds = array<i64: 256, 768>}, {pipeline_mode = #tpu.pipeline_mode<synchronous>, transform_indices = @transform_1, window_bounds = array<i64: 768, 64>}, {transform_indices = @transform_2, window_bounds = array<i64: 256, 64>}, {transform_indices = @transform_3, window_bounds = array<i64: 256, 64>}, {pipeline_mode = #tpu.pipeline_mode<synchronous>, transform_indices = @transform_4, window_bounds = array<i64: 64, 64>}, {pipeline_mode = #tpu.pipeline_mode<synchronous>, transform_indices = @transform_5, window_bounds = array<i64: 64, 64>}, {pipeline_mode = #tpu.pipeline_mode<synchronous>, transform_indices = @transform_6, window_bounds = array<i64: 64, 64>}, {pipeline_mode = #tpu.pipeline_mode<synchronous>, transform_indices = @transform_7, window_bounds = array<i64: 64, 64>}, {pipeline_mode = #tpu.pipeline_mode<synchronous>, transform_indices = @transform_8, window_bounds = array<i64: 64, 64>}]} {
    %eq3A = arith.constant 0 : i32
    %eq3A_0 = arith.cmpi eq, %arg0, %eq3A : i32
    %convert_element_type3A = arith.extui %eq3A_0 : i1 to i32
    %cond3A = arith.constant 0 : i32
    %cond3A_1 = arith.cmpi ne, %convert_element_type3A, %cond3A : i32
    scf.if %cond3A_1 {
      %broadcast_in_dim3A_132 = arith.constant 0.000000e+00 : f32
      %broadcast_in_dim3A_133 = vector.broadcast %broadcast_in_dim3A_132 : f32 to vector<8x64xf32>
      %swap3A_134 = arith.constant 0 : index
      %swap3A_135 = arith.constant 0 : index
      %swap3A_136 = vector.load %arg10[%swap3A_134, %swap3A_135] : memref<8x64xf32, #tpu.memory_space<vmem>>, vector<8x64xf32>
      tpu.vector_store %arg10[%swap3A_134, %swap3A_135], %broadcast_in_dim3A_133 {strides = array<i32>} : memref<8x64xf32, #tpu.memory_space<vmem>>, vector<8x64xf32>,
      %broadcast_in_dim3A_137 = arith.constant 0.000000e+00 : f32
      %broadcast_in_dim3A_138 = vector.broadcast %broadcast_in_dim3A_137 : f32 to vector<64x64xf32>
      %swap3A_139 = arith.constant 0 : index
      %swap3A_140 = arith.constant 0 : index
      %swap3A_141 = vector.load %arg5[%swap3A_139, %swap3A_140] : memref<64x64xf32, #tpu.memory_space<vmem>>, vector<64x64xf32>
      tpu.vector_store %arg5[%swap3A_139, %swap3A_140], %broadcast_in_dim3A_138 {strides = array<i32>} : memref<64x64xf32, #tpu.memory_space<vmem>>, vector<64x64xf32>,
      %broadcast_in_dim3A_142 = arith.constant 0.000000e+00 : f32
      %broadcast_in_dim3A_143 = vector.broadcast %broadcast_in_dim3A_142 : f32 to vector<64x64xf32>
      %swap3A_144 = arith.constant 0 : index
      %swap3A_145 = arith.constant 0 : index
      %swap3A_146 = vector.load %arg6[%swap3A_144, %swap3A_145] : memref<64x64xf32, #tpu.memory_space<vmem>>, vector<64x64xf32>
      tpu.vector_store %arg6[%swap3A_144, %swap3A_145], %broadcast_in_dim3A_143 {strides = array<i32>} : memref<64x64xf32, #tpu.memory_space<vmem>>, vector<64x64xf32>,
      %broadcast_in_dim3A_147 = arith.constant 0.000000e+00 : f32
      %broadcast_in_dim3A_148 = vector.broadcast %broadcast_in_dim3A_147 : f32 to vector<64x64xf32>
      %swap3A_149 = arith.constant 0 : index
      %swap3A_150 = arith.constant 0 : index
      %swap3A_151 = vector.load %arg7[%swap3A_149, %swap3A_150] : memref<64x64xf32, #tpu.memory_space<vmem>>, vector<64x64xf32>
      tpu.vector_store %arg7[%swap3A_149, %swap3A_150], %broadcast_in_dim3A_148 {strides = array<i32>} : memref<64x64xf32, #tpu.memory_space<vmem>>, vector<64x64xf32>,
    } else {
    }
    %get3A = arith.constant 0 : index
    %get3A_2 = arith.constant 0 : index
    %get3A_3 = vector.load %arg1[%get3A, %get3A_2] : memref<256x768xf32, #tpu.memory_space<vmem>>, vector<256x768xf32>
    %get3A_4 = arith.constant 0 : index
    %get3A_5 = arith.constant 0 : index
    %get3A_6 = vector.load %arg2[%get3A_4, %get3A_5] : memref<768x64xf32, #tpu.memory_space<vmem>>, vector<768x64xf32>
    %dot_general3A = arith.constant dense<0.000000e+00> : vector<256x64xf32>
    %dot_general3A_7 = tpu.matmul %get3A_3, %get3A_6, %dot_general3A {dimension_numbers = #tpu.dot_dimension_numbers<[1], [0], [0], [1], [0, 0, 1, 1], [], []>, transpose_lhs_hint = false} : vector<256x768xf32>, vector<768x64xf32>, vector<256x64xf32> -> vector<256x64xf32>
    %swap3A = arith.constant 0 : index
    %swap3A_8 = arith.constant 0 : index
    %swap3A_9 = vector.load %arg3[%swap3A, %swap3A_8] : memref<256x64xf32, #tpu.memory_space<vmem>>, vector<256x64xf32>
    tpu.vector_store %arg3[%swap3A, %swap3A_8], %dot_general3A_7 {strides = array<i32>} : memref<256x64xf32, #tpu.memory_space<vmem>>, vector<256x64xf32>,
    %reduce_max3A = arith.constant dense<0xFF800000> : vector<256xf32>
    %reduce_max3A_10 = vector.multi_reduction <maximumf>, %dot_general3A_7, %reduce_max3A [1] : vector<256x64xf32> to vector<256xf32>
    %broadcast_in_dim3A = vector.shape_cast %reduce_max3A_10 : vector<256xf32> to vector<256x1xf32>
    %sub3A = vector.broadcast %broadcast_in_dim3A : vector<256x1xf32> to vector<256x64xf32>
    %sub3A_11 = arith.subf %dot_general3A_7, %sub3A : vector<256x64xf32>
    %exp3A = math.exp %sub3A_11 : vector<256x64xf32>
    %reduce_sum3A = arith.constant dense<0.000000e+00> : vector<256xf32>
    %reduce_sum3A_12 = vector.multi_reduction <add>, %exp3A, %reduce_sum3A [1] : vector<256x64xf32> to vector<256xf32>
    %broadcast_in_dim3A_13 = vector.shape_cast %reduce_sum3A_12 : vector<256xf32> to vector<256x1xf32>
    %div3A = vector.broadcast %broadcast_in_dim3A_13 : vector<256x1xf32> to vector<256x64xf32>
    %div3A_14 = arith.divf %exp3A, %div3A : vector<256x64xf32>
    %swap3A_15 = arith.constant 0 : index
    %swap3A_16 = arith.constant 0 : index
    %swap3A_17 = vector.load %arg4[%swap3A_15, %swap3A_16] : memref<256x64xf32, #tpu.memory_space<vmem>>, vector<256x64xf32>
    tpu.vector_store %arg4[%swap3A_15, %swap3A_16], %div3A_14 {strides = array<i32>} : memref<256x64xf32, #tpu.memory_space<vmem>>, vector<256x64xf32>,
    %iota3A = tpu.iota {dimensions = array<i32: 1>} : vector<256x64xi32>
    %eq3A_18 = vector.broadcast %broadcast_in_dim3A : vector<256x1xf32> to vector<256x64xf32>
    %eq3A_19 = arith.cmpf oeq, %dot_general3A_7, %eq3A_18 : vector<256x64xf32>
    %jit3A = arith.constant 64 : i32
    %broadcast_in_dim3A_20 = vector.broadcast %jit3A : i32 to vector<256x64xi32>
    %select_n3A = arith.select %eq3A_19, %iota3A, %broadcast_in_dim3A_20 : vector<256x64xi1>, vector<256x64xi32>
    %reduce_min3A = arith.constant dense<2147483647> : vector<256xi32>
    %reduce_min3A_21 = vector.multi_reduction <minsi>, %select_n3A, %reduce_min3A [1] : vector<256x64xi32> to vector<256xi32>
    %reduce_max3A_22 = arith.constant dense<0xFF800000> : vector<256xf32>
    %reduce_max3A_23 = vector.multi_reduction <maximumf>, %div3A_14, %reduce_max3A_22 [1] : vector<256x64xf32> to vector<256xf32>
    %broadcast_in_dim3A_24 = vector.shape_cast %reduce_min3A_21 : vector<256xi32> to vector<256x1xi32>
    %eq3A_25 = vector.broadcast %broadcast_in_dim3A_24 : vector<256x1xi32> to vector<256x64xi32>
    %eq3A_26 = arith.cmpi eq, %iota3A, %eq3A_25 : vector<256x64xi32>
    %convert_element_type3A_27 = arith.extui %eq3A_26 : vector<256x64xi1> to vector<256x64xi32>
    %convert_element_type3A_28 = arith.sitofp %convert_element_type3A_27 : vector<256x64xi32> to vector<256x64xf32>
    %broadcast_in_dim3A_29 = arith.constant 0.000000e+00 : f32
    %broadcast_in_dim3A_30 = vector.broadcast %broadcast_in_dim3A_29 : f32 to vector<1x64xf32>
    %slice3A = vector.extract_strided_slice %convert_element_type3A_28 {offsets = [0, 0], sizes = [255, 64], strides = [1, 1]} : vector<256x64xf32> to vector<255x64xf32>
    %concatenate3A = tpu.concatenate %broadcast_in_dim3A_30, %slice3A in 0 : vector<1x64xf32>, vector<255x64xf32> -> vector<256x64xf32>
    %add3A = arith.addf %convert_element_type3A_28, %concatenate3A : vector<256x64xf32>
    %broadcast_in_dim3A_31 = arith.constant 0.000000e+00 : f32
    %broadcast_in_dim3A_32 = vector.broadcast %broadcast_in_dim3A_31 : f32 to vector<2x64xf32>
    %slice3A_33 = vector.extract_strided_slice %add3A {offsets = [0, 0], sizes = [254, 64], strides = [1, 1]} : vector<256x64xf32> to vector<254x64xf32>
    %concatenate3A_34 = tpu.concatenate %broadcast_in_dim3A_32, %slice3A_33 in 0 : vector<2x64xf32>, vector<254x64xf32> -> vector<256x64xf32>
    %add3A_35 = arith.addf %add3A, %concatenate3A_34 : vector<256x64xf32>
    %broadcast_in_dim3A_36 = arith.constant 0.000000e+00 : f32
    %broadcast_in_dim3A_37 = vector.broadcast %broadcast_in_dim3A_36 : f32 to vector<4x64xf32>
    %slice3A_38 = vector.extract_strided_slice %add3A_35 {offsets = [0, 0], sizes = [252, 64], strides = [1, 1]} : vector<256x64xf32> to vector<252x64xf32>
    %concatenate3A_39 = tpu.concatenate %broadcast_in_dim3A_37, %slice3A_38 in 0 : vector<4x64xf32>, vector<252x64xf32> -> vector<256x64xf32>
    %add3A_40 = arith.addf %add3A_35, %concatenate3A_39 : vector<256x64xf32>
    %broadcast_in_dim3A_41 = arith.constant 0.000000e+00 : f32
    %broadcast_in_dim3A_42 = vector.broadcast %broadcast_in_dim3A_41 : f32 to vector<8x64xf32>
    %slice3A_43 = vector.extract_strided_slice %add3A_40 {offsets = [0, 0], sizes = [248, 64], strides = [1, 1]} : vector<256x64xf32> to vector<248x64xf32>
    %concatenate3A_44 = tpu.concatenate %broadcast_in_dim3A_42, %slice3A_43 in 0 : vector<8x64xf32>, vector<248x64xf32> -> vector<256x64xf32>
    %add3A_45 = arith.addf %add3A_40, %concatenate3A_44 : vector<256x64xf32>
    %broadcast_in_dim3A_46 = arith.constant 0.000000e+00 : f32
    %broadcast_in_dim3A_47 = vector.broadcast %broadcast_in_dim3A_46 : f32 to vector<16x64xf32>
    %slice3A_48 = vector.extract_strided_slice %add3A_45 {offsets = [0, 0], sizes = [240, 64], strides = [1, 1]} : vector<256x64xf32> to vector<240x64xf32>
    %concatenate3A_49 = tpu.concatenate %broadcast_in_dim3A_47, %slice3A_48 in 0 : vector<16x64xf32>, vector<240x64xf32> -> vector<256x64xf32>
    %add3A_50 = arith.addf %add3A_45, %concatenate3A_49 : vector<256x64xf32>
    %broadcast_in_dim3A_51 = arith.constant 0.000000e+00 : f32
    %broadcast_in_dim3A_52 = vector.broadcast %broadcast_in_dim3A_51 : f32 to vector<32x64xf32>
    %slice3A_53 = vector.extract_strided_slice %add3A_50 {offsets = [0, 0], sizes = [224, 64], strides = [1, 1]} : vector<256x64xf32> to vector<224x64xf32>
    %concatenate3A_54 = tpu.concatenate %broadcast_in_dim3A_52, %slice3A_53 in 0 : vector<32x64xf32>, vector<224x64xf32> -> vector<256x64xf32>
    %add3A_55 = arith.addf %add3A_50, %concatenate3A_54 : vector<256x64xf32>
    %broadcast_in_dim3A_56 = arith.constant 0.000000e+00 : f32
    %broadcast_in_dim3A_57 = vector.broadcast %broadcast_in_dim3A_56 : f32 to vector<64x64xf32>
    %slice3A_58 = vector.extract_strided_slice %add3A_55 {offsets = [0, 0], sizes = [192, 64], strides = [1, 1]} : vector<256x64xf32> to vector<192x64xf32>
    %concatenate3A_59 = tpu.concatenate %broadcast_in_dim3A_57, %slice3A_58 in 0 : vector<64x64xf32>, vector<192x64xf32> -> vector<256x64xf32>
    %add3A_60 = arith.addf %add3A_55, %concatenate3A_59 : vector<256x64xf32>
    %broadcast_in_dim3A_61 = arith.constant 0.000000e+00 : f32
    %broadcast_in_dim3A_62 = vector.broadcast %broadcast_in_dim3A_61 : f32 to vector<128x64xf32>
    %slice3A_63 = vector.extract_strided_slice %add3A_60 {offsets = [0, 0], sizes = [128, 64], strides = [1, 1]} : vector<256x64xf32> to vector<128x64xf32>
    %concatenate3A_64 = tpu.concatenate %broadcast_in_dim3A_62, %slice3A_63 in 0 : vector<128x64xf32>, vector<128x64xf32> -> vector<256x64xf32>
    %add3A_65 = arith.addf %add3A_60, %concatenate3A_64 : vector<256x64xf32>
    %sub3A_66 = arith.subf %add3A_65, %convert_element_type3A_28 : vector<256x64xf32>
    %get3A_67 = arith.constant 0 : index
    %get3A_68 = arith.constant 0 : index
    %get3A_69 = vector.load %arg10[%get3A_67, %get3A_68] : memref<8x64xf32, #tpu.memory_space<vmem>>, vector<1x64xf32>
    %add3A_70 = vector.broadcast %get3A_69 : vector<1x64xf32> to vector<256x64xf32>
    %add3A_71 = arith.addf %sub3A_66, %add3A_70 : vector<256x64xf32>
    %get3A_72 = arith.constant 0 : index
    %get3A_73 = arith.constant 0 : index
    %get3A_74 = vector.load %arg10[%get3A_72, %get3A_73] : memref<8x64xf32, #tpu.memory_space<vmem>>, vector<1x64xf32>
    %slice3A_75 = vector.extract_strided_slice %add3A_65 {offsets = [255, 0], sizes = [1, 64], strides = [1, 1]} : vector<256x64xf32> to vector<1x64xf32>
    %add3A_76 = arith.addf %get3A_74, %slice3A_75 : vector<1x64xf32>
    %swap3A_77 = arith.constant 0 : index
    %swap3A_78 = arith.constant 0 : index
    %swap3A_79 = vector.load %arg10[%swap3A_77, %swap3A_78] : memref<8x64xf32, #tpu.memory_space<vmem>>, vector<1x64xf32>
    tpu.vector_store %arg10[%swap3A_77, %swap3A_78], %add3A_76 {strides = array<i32>} : memref<8x64xf32, #tpu.memory_space<vmem>>, vector<1x64xf32>,
    %mul3A = arith.mulf %add3A_71, %convert_element_type3A_28 : vector<256x64xf32>
    %reduce_sum3A_80 = arith.constant dense<0.000000e+00> : vector<256xf32>
    %reduce_sum3A_81 = vector.multi_reduction <add>, %mul3A, %reduce_sum3A_80 [1] : vector<256x64xf32> to vector<256xf32>
    %iota3A_82 = tpu.iota {dimensions = array<i32: 1>} : vector<256x64xi32>
    %convert_element_type3A_83 = arith.fptosi %reduce_sum3A_81 : vector<256xf32> to vector<256xi32>
    %broadcast_in_dim3A_84 = vector.shape_cast %convert_element_type3A_83 : vector<256xi32> to vector<256x1xi32>
    %eq3A_85 = vector.broadcast %broadcast_in_dim3A_84 : vector<256x1xi32> to vector<256x64xi32>
    %eq3A_86 = arith.cmpi eq, %iota3A_82, %eq3A_85 : vector<256x64xi32>
    %convert_element_type3A_87 = arith.extui %eq3A_86 : vector<256x64xi1> to vector<256x64xi32>
    %convert_element_type3A_88 = arith.sitofp %convert_element_type3A_87 : vector<256x64xi32> to vector<256x64xf32>
    %iota3A_89 = tpu.iota {dimensions = array<i32: 0>} : vector<256x1xi32>
    %mul3A_90 = arith.constant 256 : i32
    %mul3A_91 = arith.muli %arg0, %mul3A_90 : i32
    %add3A_92 = vector.broadcast %mul3A_91 : i32 to vector<256x1xi32>
    %add3A_93 = arith.addi %iota3A_89, %add3A_92 : vector<256x1xi32>
    %convert_element_type3A_94 = arith.sitofp %add3A_93 : vector<256x1xi32> to vector<256x1xf32>
    %get3A_95 = arith.constant 0 : index
    %get3A_96 = arith.constant 0 : index
    %get3A_97 = vector.load %arg5[%get3A_95, %get3A_96] : memref<64x64xf32, #tpu.memory_space<vmem>>, vector<64x64xf32>
    %dot_general3A_98 = arith.constant dense<0.000000e+00> : vector<64x64xf32>
    %dot_general3A_99 = tpu.matmul %convert_element_type3A_28, %convert_element_type3A_88, %dot_general3A_98 {dimension_numbers = #tpu.dot_dimension_numbers<[0], [0], [1], [1], [0, 1, 1, 1], [], []>, precision = #tpu.contract_precision<fp32>, transpose_lhs_hint = false} : vector<256x64xf32>, vector<256x64xf32>, vector<64x64xf32> -> vector<64x64xf32>
    %add3A_100 = arith.addf %get3A_97, %dot_general3A_99 : vector<64x64xf32>
    %swap3A_101 = arith.constant 0 : index
    %swap3A_102 = arith.constant 0 : index
    %swap3A_103 = vector.load %arg5[%swap3A_101, %swap3A_102] : memref<64x64xf32, #tpu.memory_space<vmem>>, vector<64x64xf32>
    tpu.vector_store %arg5[%swap3A_101, %swap3A_102], %add3A_100 {strides = array<i32>} : memref<64x64xf32, #tpu.memory_space<vmem>>, vector<64x64xf32>,
    %get3A_104 = arith.constant 0 : index
    %get3A_105 = arith.constant 0 : index
    %get3A_106 = vector.load %arg6[%get3A_104, %get3A_105] : memref<64x64xf32, #tpu.memory_space<vmem>>, vector<64x64xf32>
    %mul3A_107 = vector.broadcast %convert_element_type3A_94 : vector<256x1xf32> to vector<256x64xf32>
    %mul3A_108 = arith.mulf %convert_element_type3A_88, %mul3A_107 : vector<256x64xf32>
    %dot_general3A_109 = arith.constant dense<0.000000e+00> : vector<64x64xf32>
    %dot_general3A_110 = tpu.matmul %convert_element_type3A_28, %mul3A_108, %dot_general3A_109 {dimension_numbers = #tpu.dot_dimension_numbers<[0], [0], [1], [1], [0, 1, 1, 1], [], []>, precision = #tpu.contract_precision<fp32>, transpose_lhs_hint = false} : vector<256x64xf32>, vector<256x64xf32>, vector<64x64xf32> -> vector<64x64xf32>
    %add3A_111 = arith.addf %get3A_106, %dot_general3A_110 : vector<64x64xf32>
    %swap3A_112 = arith.constant 0 : index
    %swap3A_113 = arith.constant 0 : index
    %swap3A_114 = vector.load %arg6[%swap3A_112, %swap3A_113] : memref<64x64xf32, #tpu.memory_space<vmem>>, vector<64x64xf32>
    tpu.vector_store %arg6[%swap3A_112, %swap3A_113], %add3A_111 {strides = array<i32>} : memref<64x64xf32, #tpu.memory_space<vmem>>, vector<64x64xf32>,
    %get3A_115 = arith.constant 0 : index
    %get3A_116 = arith.constant 0 : index
    %get3A_117 = vector.load %arg7[%get3A_115, %get3A_116] : memref<64x64xf32, #tpu.memory_space<vmem>>, vector<64x64xf32>
    %broadcast_in_dim3A_118 = vector.shape_cast %reduce_max3A_23 : vector<256xf32> to vector<256x1xf32>
    %mul3A_119 = vector.broadcast %broadcast_in_dim3A_118 : vector<256x1xf32> to vector<256x64xf32>
    %mul3A_120 = arith.mulf %convert_element_type3A_88, %mul3A_119 : vector<256x64xf32>
    %dot_general3A_121 = arith.constant dense<0.000000e+00> : vector<64x64xf32>
    %dot_general3A_122 = tpu.matmul %convert_element_type3A_28, %mul3A_120, %dot_general3A_121 {dimension_numbers = #tpu.dot_dimension_numbers<[0], [0], [1], [1], [0, 1, 1, 1], [], []>, precision = #tpu.contract_precision<fp32>, transpose_lhs_hint = false} : vector<256x64xf32>, vector<256x64xf32>, vector<64x64xf32> -> vector<64x64xf32>
    %add3A_123 = arith.addf %get3A_117, %dot_general3A_122 : vector<64x64xf32>
    %swap3A_124 = arith.constant 0 : index
    %swap3A_125 = arith.constant 0 : index
    %swap3A_126 = vector.load %arg7[%swap3A_124, %swap3A_125] : memref<64x64xf32, #tpu.memory_space<vmem>>, vector<64x64xf32>
    tpu.vector_store %arg7[%swap3A_124, %swap3A_125], %add3A_123 {strides = array<i32>} : memref<64x64xf32, #tpu.memory_space<vmem>>, vector<64x64xf32>,
    %eq3A_127 = arith.constant 15 : i32
    %eq3A_128 = arith.cmpi eq, %arg0, %eq3A_127 : i32
    %convert_element_type3A_129 = arith.extui %eq3A_128 : i1 to i32
    %cond3A_130 = arith.constant 0 : i32
    %cond3A_131 = arith.cmpi ne, %convert_element_type3A_129, %cond3A_130 : i32
    scf.if %cond3A_131 {
      %get3A_132 = arith.constant 0 : index
      %get3A_133 = arith.constant 0 : index
      %get3A_134 = vector.load %arg5[%get3A_132, %get3A_133] : memref<64x64xf32, #tpu.memory_space<vmem>>, vector<64x64xf32>
      %gt3A = arith.constant 5.000000e-01 : f32
      %gt3A_135 = vector.broadcast %gt3A : f32 to vector<64x64xf32>
      %gt3A_136 = arith.cmpf ogt, %get3A_134, %gt3A_135 : vector<64x64xf32>
      %get3A_137 = arith.constant 0 : index
      %get3A_138 = arith.constant 0 : index
      %get3A_139 = vector.load %arg6[%get3A_137, %get3A_138] : memref<64x64xf32, #tpu.memory_space<vmem>>, vector<64x64xf32>
      %convert_element_type3A_140 = arith.fptosi %get3A_139 : vector<64x64xf32> to vector<64x64xi32>
      %jit3A_141 = arith.constant -1 : i32
      %broadcast_in_dim3A_142 = vector.broadcast %jit3A_141 : i32 to vector<64x64xi32>
      %select_n3A_143 = arith.select %gt3A_136, %convert_element_type3A_140, %broadcast_in_dim3A_142 : vector<64x64xi1>, vector<64x64xi32>
      %swap3A_144 = arith.constant 0 : index
      %swap3A_145 = arith.constant 0 : index
      %swap3A_146 = vector.load %arg8[%swap3A_144, %swap3A_145] : memref<64x64xi32, #tpu.memory_space<vmem>>, vector<64x64xi32>
      tpu.vector_store %arg8[%swap3A_144, %swap3A_145], %select_n3A_143 {strides = array<i32>} : memref<64x64xi32, #tpu.memory_space<vmem>>, vector<64x64xi32>,
      %jit3A_147 = arith.constant 0 : i32
      %broadcast_in_dim3A_148 = vector.broadcast %jit3A_147 : i32 to vector<64x64xi32>
      %select_n3A_149 = arith.select %gt3A_136, %convert_element_type3A_140, %broadcast_in_dim3A_148 : vector<64x64xi1>, vector<64x64xi32>
      %swap3A_150 = arith.constant 0 : index
      %swap3A_151 = arith.constant 0 : index
      %swap3A_152 = vector.load %arg9[%swap3A_150, %swap3A_151] : memref<64x64xi32, #tpu.memory_space<vmem>>, vector<64x64xi32>
      tpu.vector_store %arg9[%swap3A_150, %swap3A_151], %select_n3A_149 {strides = array<i32>} : memref<64x64xi32, #tpu.memory_space<vmem>>, vector<64x64xi32>,
    } else {
    }
    return
  }
  func.func @transform_0(%arg0: i32) -> (i32, i32) {
    %c0_i32 = arith.constant 0 : i32
    %c0_i32_0 = arith.constant 0 : i32
    return %arg0, %c0_i32 : i32, i32
  }
  func.func @transform_1(%arg0: i32) -> (i32, i32) {
    %c0_i32 = arith.constant 0 : i32
    %c0_i32_0 = arith.constant 0 : i32
    %c0_i32_1 = arith.constant 0 : i32
    return %c0_i32, %c0_i32_0 : i32, i32
  }
  func.func @transform_2(%arg0: i32) -> (i32, i32) {
    %c0_i32 = arith.constant 0 : i32
    %c0_i32_0 = arith.constant 0 : i32
    return %arg0, %c0_i32 : i32, i32
  }
  func.func @transform_3(%arg0: i32) -> (i32, i32) {
    %c0_i32 = arith.constant 0 : i32
    %c0_i32_0 = arith.constant 0 : i32
    return %arg0, %c0_i32 : i32, i32
  }
  func.func @transform_4(%arg0: i32) -> (i32, i32) {
    %c0_i32 = arith.constant 0 : i32
    %c0_i32_0 = arith.constant 0 : i32
    %c0_i32_1 = arith.constant 0 : i32
    return %c0_i32, %c0_i32_0 : i32, i32
  }
  func.func @transform_5(%arg0: i32) -> (i32, i32) {
    %c0_i32 = arith.constant 0 : i32
    %c0_i32_0 = arith.constant 0 : i32
    %c0_i32_1 = arith.constant 0 : i32
    return %c0_i32, %c0_i32_0 : i32, i32
  }
  func.func @transform_6(%arg0: i32) -> (i32, i32) {
    %c0_i32 = arith.constant 0 : i32
    %c0_i32_0 = arith.constant 0 : i32
    %c0_i32_1 = arith.constant 0 : i32
    return %c0_i32, %c0_i32_0 : i32, i32
  }
  func.func @transform_7(%arg0: i32) -> (i32, i32) {
    %c0_i32 = arith.constant 0 : i32
    %c0_i32_0 = arith.constant 0 : i32
    %c0_i32_1 = arith.constant 0 : i32
    return %c0_i32, %c0_i32_0 : i32, i32
  }
  func.func @transform_8(%arg0: i32) -> (i32, i32) {
    %c0_i32 = arith.constant 0 : i32
    %c0_i32_0 = arith.constant 0 : i32
    %c0_i32_1 = arith.constant 0 : i32
    return %c0_i32, %c0_i32_0 : i32, i32
  }
}

module attributes {stable_mosaic.version = 14 : i64} {
  func.func @_expert_ffn_body(%arg0: i32, %arg1: memref<4096xi32, #tpu.memory_space<smem>>, %arg2: memref<64x768xf32, #tpu.memory_space<vmem>>, %arg3: memref<1x768x768xf32, #tpu.memory_space<vmem>>, %arg4: memref<1x1x768xf32, #tpu.memory_space<vmem>>, %arg5: memref<1x768x768xf32, #tpu.memory_space<vmem>>, %arg6: memref<1x1x768xf32, #tpu.memory_space<vmem>>, %arg7: memref<1x768x768xf32, #tpu.memory_space<vmem>>, %arg8: memref<1x1x768xf32, #tpu.memory_space<vmem>>, %arg9: memref<1x64x1xf32, #tpu.memory_space<vmem>>, %arg10: memref<4096x768xf32, #tpu.memory_space<vmem>>) attributes {dimension_semantics = [#tpu.dimension_semantics<arbitrary>], iteration_bounds = array<i64: 64>, scalar_prefetch = 1 : i64, scratch_operands = 0 : i64, tpu.core_type = #tpu.core_type<tc>, window_params = [{transform_indices = @transform_0, window_bounds = array<i64: 64, 768>}, {transform_indices = @transform_1, window_bounds = array<i64: 1, 768, 768>}, {transform_indices = @transform_2, window_bounds = array<i64: 1, 1, 768>}, {transform_indices = @transform_3, window_bounds = array<i64: 1, 768, 768>}, {transform_indices = @transform_4, window_bounds = array<i64: 1, 1, 768>}, {transform_indices = @transform_5, window_bounds = array<i64: 1, 768, 768>}, {transform_indices = @transform_6, window_bounds = array<i64: 1, 1, 768>}, {transform_indices = @transform_7, window_bounds = array<i64: 1, 64, 1>}, {pipeline_mode = #tpu.pipeline_mode<synchronous>, transform_indices = @transform_8, window_bounds = array<i64: 4096, 768>}]} {
    %eq3A = arith.constant 0 : i32
    %eq3A_0 = arith.cmpi eq, %arg0, %eq3A : i32
    %convert_element_type3A = arith.extui %eq3A_0 : i1 to i32
    %cond3A = arith.constant 0 : i32
    %cond3A_1 = arith.cmpi ne, %convert_element_type3A, %cond3A : i32
    scf.if %cond3A_1 {
      %broadcast_in_dim3A_825 = arith.constant 0.000000e+00 : f32
      %broadcast_in_dim3A_826 = vector.broadcast %broadcast_in_dim3A_825 : f32 to vector<4096x768xf32>
      %swap3A = arith.constant 0 : index
      %swap3A_827 = arith.constant 0 : index
      %swap3A_828 = vector.load %arg10[%swap3A, %swap3A_827] : memref<4096x768xf32, #tpu.memory_space<vmem>>, vector<4096x768xf32>
      tpu.vector_store %arg10[%swap3A, %swap3A_827], %broadcast_in_dim3A_826 {strides = array<i32>} : memref<4096x768xf32, #tpu.memory_space<vmem>>, vector<4096x768xf32>,
    } else {
    }
    %get3A = arith.constant 0 : index
    %get3A_2 = arith.constant 0 : index
    %get3A_3 = vector.load %arg2[%get3A, %get3A_2] : memref<64x768xf32, #tpu.memory_space<vmem>>, vector<64x768xf32>
    %get3A_4 = arith.constant 0 : index
    %get3A_5 = arith.constant 0 : index
    %get3A_6 = arith.constant 0 : index
    %get3A_7 = vector.load %arg3[%get3A_4, %get3A_5, %get3A_6] : memref<1x768x768xf32, #tpu.memory_space<vmem>>, vector<1x768x768xf32>
    %get3A_8 = vector.shape_cast %get3A_7 : vector<1x768x768xf32> to vector<768x768xf32>
    %dot_general3A = arith.constant dense<0.000000e+00> : vector<64x768xf32>
    %dot_general3A_9 = tpu.matmul %get3A_3, %get3A_8, %dot_general3A {dimension_numbers = #tpu.dot_dimension_numbers<[1], [0], [0], [1], [0, 0, 1, 1], [], []>, transpose_lhs_hint = false} : vector<64x768xf32>, vector<768x768xf32>, vector<64x768xf32> -> vector<64x768xf32>
    %get3A_10 = arith.constant 0 : index
    %get3A_11 = arith.constant 0 : index
    %get3A_12 = arith.constant 0 : index
    %get3A_13 = vector.load %arg4[%get3A_10, %get3A_11, %get3A_12] : memref<1x1x768xf32, #tpu.memory_space<vmem>>, vector<1x1x768xf32>
    %get3A_14 = vector.shape_cast %get3A_13 : vector<1x1x768xf32> to vector<768xf32>
    %broadcast_in_dim3A = vector.shape_cast %get3A_14 : vector<768xf32> to vector<1x768xf32>
    %add3A = vector.broadcast %broadcast_in_dim3A : vector<1x768xf32> to vector<64x768xf32>
    %add3A_15 = arith.addf %dot_general3A_9, %add3A : vector<64x768xf32>
    %get3A_16 = arith.constant 0 : index
    %get3A_17 = arith.constant 0 : index
    %get3A_18 = arith.constant 0 : index
    %get3A_19 = vector.load %arg5[%get3A_16, %get3A_17, %get3A_18] : memref<1x768x768xf32, #tpu.memory_space<vmem>>, vector<1x768x768xf32>
    %get3A_20 = vector.shape_cast %get3A_19 : vector<1x768x768xf32> to vector<768x768xf32>
    %dot_general3A_21 = arith.constant dense<0.000000e+00> : vector<64x768xf32>
    %dot_general3A_22 = tpu.matmul %get3A_3, %get3A_20, %dot_general3A_21 {dimension_numbers = #tpu.dot_dimension_numbers<[1], [0], [0], [1], [0, 0, 1, 1], [], []>, transpose_lhs_hint = false} : vector<64x768xf32>, vector<768x768xf32>, vector<64x768xf32> -> vector<64x768xf32>
    %get3A_23 = arith.constant 0 : index
    %get3A_24 = arith.constant 0 : index
    %get3A_25 = arith.constant 0 : index
    %get3A_26 = vector.load %arg6[%get3A_23, %get3A_24, %get3A_25] : memref<1x1x768xf32, #tpu.memory_space<vmem>>, vector<1x1x768xf32>
    %get3A_27 = vector.shape_cast %get3A_26 : vector<1x1x768xf32> to vector<768xf32>
    %broadcast_in_dim3A_28 = vector.shape_cast %get3A_27 : vector<768xf32> to vector<1x768xf32>
    %add3A_29 = vector.broadcast %broadcast_in_dim3A_28 : vector<1x768xf32> to vector<64x768xf32>
    %add3A_30 = arith.addf %dot_general3A_22, %add3A_29 : vector<64x768xf32>
    %logistic3A = arith.negf %add3A_15 : vector<64x768xf32>
    %logistic3A_31 = math.exp %logistic3A : vector<64x768xf32>
    %logistic3A_32 = arith.constant 1.000000e+00 : f32
    %logistic3A_33 = vector.broadcast %logistic3A_32 : f32 to vector<64x768xf32>
    %logistic3A_34 = arith.addf %logistic3A_33, %logistic3A_31 : vector<64x768xf32>
    %logistic3A_35 = arith.divf %logistic3A_33, %logistic3A_34 : vector<64x768xf32>
    %mul3A = arith.mulf %add3A_15, %logistic3A_35 : vector<64x768xf32>
    %mul3A_36 = arith.mulf %add3A_30, %mul3A : vector<64x768xf32>
    %get3A_37 = arith.constant 0 : index
    %get3A_38 = arith.constant 0 : index
    %get3A_39 = arith.constant 0 : index
    %get3A_40 = vector.load %arg7[%get3A_37, %get3A_38, %get3A_39] : memref<1x768x768xf32, #tpu.memory_space<vmem>>, vector<1x768x768xf32>
    %get3A_41 = vector.shape_cast %get3A_40 : vector<1x768x768xf32> to vector<768x768xf32>
    %dot_general3A_42 = arith.constant dense<0.000000e+00> : vector<64x768xf32>
    %dot_general3A_43 = tpu.matmul %mul3A_36, %get3A_41, %dot_general3A_42 {dimension_numbers = #tpu.dot_dimension_numbers<[1], [0], [0], [1], [0, 0, 1, 1], [], []>, transpose_lhs_hint = false} : vector<64x768xf32>, vector<768x768xf32>, vector<64x768xf32> -> vector<64x768xf32>
    %get3A_44 = arith.constant 0 : index
    %get3A_45 = arith.constant 0 : index
    %get3A_46 = arith.constant 0 : index
    %get3A_47 = vector.load %arg8[%get3A_44, %get3A_45, %get3A_46] : memref<1x1x768xf32, #tpu.memory_space<vmem>>, vector<1x1x768xf32>
    %get3A_48 = vector.shape_cast %get3A_47 : vector<1x1x768xf32> to vector<768xf32>
    %broadcast_in_dim3A_49 = vector.shape_cast %get3A_48 : vector<768xf32> to vector<1x768xf32>
    %add3A_50 = vector.broadcast %broadcast_in_dim3A_49 : vector<1x768xf32> to vector<64x768xf32>
    %add3A_51 = arith.addf %dot_general3A_43, %add3A_50 : vector<64x768xf32>
    %get3A_52 = arith.constant 0 : index
    %get3A_53 = arith.constant 0 : index
    %get3A_54 = arith.constant 0 : index
    %get3A_55 = vector.load %arg9[%get3A_52, %get3A_53, %get3A_54] : memref<1x64x1xf32, #tpu.memory_space<vmem>>, vector<1x64x1xf32>
    %get3A_56 = vector.shape_cast %get3A_55 : vector<1x64x1xf32> to vector<64x1xf32>
    %mul3A_57 = vector.broadcast %get3A_56 : vector<64x1xf32> to vector<64x768xf32>
    %mul3A_58 = arith.mulf %add3A_51, %mul3A_57 : vector<64x768xf32>
    %mul3A_59 = arith.constant 64 : i32
    %mul3A_60 = arith.muli %arg0, %mul3A_59 : i32
    %add3A_61 = arith.constant 0 : i32
    %add3A_62 = arith.addi %mul3A_60, %add3A_61 : i32
    %get3A_63 = arith.index_cast %add3A_62 : i32 to index
    %get3A_64 = memref.load %arg1[%get3A_63] : memref<4096xi32, #tpu.memory_space<smem>>
    %slice3A = vector.extract_strided_slice %mul3A_58 {offsets = [0, 0], sizes = [1, 768], strides = [1, 1]} : vector<64x768xf32> to vector<1x768xf32>
    %ge3A = arith.constant 0 : i32
    %ge3A_65 = arith.cmpi sge, %get3A_64, %ge3A : i32
    %convert_element_type3A_66 = arith.extui %ge3A_65 : i1 to i32
    %cond3A_67 = arith.constant 0 : i32
    %cond3A_68 = arith.cmpi ne, %convert_element_type3A_66, %cond3A_67 : i32
    scf.if %cond3A_68 {
      %swap3A = arith.index_cast %get3A_64 : i32 to index
      %swap3A_825 = arith.constant 0 : index
      %swap3A_826 = vector.load %arg10[%swap3A, %swap3A_825] : memref<4096x768xf32, #tpu.memory_space<vmem>>, vector<1x768xf32>
      tpu.vector_store %arg10[%swap3A, %swap3A_825], %slice3A {strides = array<i32>} : memref<4096x768xf32, #tpu.memory_space<vmem>>, vector<1x768xf32>,
    } else {
    }
    %mul3A_69 = arith.constant 64 : i32
    %mul3A_70 = arith.muli %arg0, %mul3A_69 : i32
    %add3A_71 = arith.constant 1 : i32
    %add3A_72 = arith.addi %mul3A_70, %add3A_71 : i32
    %get3A_73 = arith.index_cast %add3A_72 : i32 to index
    %get3A_74 = memref.load %arg1[%get3A_73] : memref<4096xi32, #tpu.memory_space<smem>>
    %slice3A_75 = vector.extract_strided_slice %mul3A_58 {offsets = [1, 0], sizes = [1, 768], strides = [1, 1]} : vector<64x768xf32> to vector<1x768xf32>
    %ge3A_76 = arith.constant 0 : i32
    %ge3A_77 = arith.cmpi sge, %get3A_74, %ge3A_76 : i32
    %convert_element_type3A_78 = arith.extui %ge3A_77 : i1 to i32
    %cond3A_79 = arith.constant 0 : i32
    %cond3A_80 = arith.cmpi ne, %convert_element_type3A_78, %cond3A_79 : i32
    scf.if %cond3A_80 {
      %swap3A = arith.index_cast %get3A_74 : i32 to index
      %swap3A_825 = arith.constant 0 : index
      %swap3A_826 = vector.load %arg10[%swap3A, %swap3A_825] : memref<4096x768xf32, #tpu.memory_space<vmem>>, vector<1x768xf32>
      tpu.vector_store %arg10[%swap3A, %swap3A_825], %slice3A_75 {strides = array<i32>} : memref<4096x768xf32, #tpu.memory_space<vmem>>, vector<1x768xf32>,
    } else {
    }
    %mul3A_81 = arith.constant 64 : i32
    %mul3A_82 = arith.muli %arg0, %mul3A_81 : i32
    %add3A_83 = arith.constant 2 : i32
    %add3A_84 = arith.addi %mul3A_82, %add3A_83 : i32
    %get3A_85 = arith.index_cast %add3A_84 : i32 to index
    %get3A_86 = memref.load %arg1[%get3A_85] : memref<4096xi32, #tpu.memory_space<smem>>
    %slice3A_87 = vector.extract_strided_slice %mul3A_58 {offsets = [2, 0], sizes = [1, 768], strides = [1, 1]} : vector<64x768xf32> to vector<1x768xf32>
    %ge3A_88 = arith.constant 0 : i32
    %ge3A_89 = arith.cmpi sge, %get3A_86, %ge3A_88 : i32
    %convert_element_type3A_90 = arith.extui %ge3A_89 : i1 to i32
    %cond3A_91 = arith.constant 0 : i32
    %cond3A_92 = arith.cmpi ne, %convert_element_type3A_90, %cond3A_91 : i32
    scf.if %cond3A_92 {
      %swap3A = arith.index_cast %get3A_86 : i32 to index
      %swap3A_825 = arith.constant 0 : index
      %swap3A_826 = vector.load %arg10[%swap3A, %swap3A_825] : memref<4096x768xf32, #tpu.memory_space<vmem>>, vector<1x768xf32>
      tpu.vector_store %arg10[%swap3A, %swap3A_825], %slice3A_87 {strides = array<i32>} : memref<4096x768xf32, #tpu.memory_space<vmem>>, vector<1x768xf32>,
    } else {
    }
    %mul3A_93 = arith.constant 64 : i32
    %mul3A_94 = arith.muli %arg0, %mul3A_93 : i32
    %add3A_95 = arith.constant 3 : i32
    %add3A_96 = arith.addi %mul3A_94, %add3A_95 : i32
    %get3A_97 = arith.index_cast %add3A_96 : i32 to index
    %get3A_98 = memref.load %arg1[%get3A_97] : memref<4096xi32, #tpu.memory_space<smem>>
    %slice3A_99 = vector.extract_strided_slice %mul3A_58 {offsets = [3, 0], sizes = [1, 768], strides = [1, 1]} : vector<64x768xf32> to vector<1x768xf32>
    %ge3A_100 = arith.constant 0 : i32
    %ge3A_101 = arith.cmpi sge, %get3A_98, %ge3A_100 : i32
    %convert_element_type3A_102 = arith.extui %ge3A_101 : i1 to i32
    %cond3A_103 = arith.constant 0 : i32
    %cond3A_104 = arith.cmpi ne, %convert_element_type3A_102, %cond3A_103 : i32
    scf.if %cond3A_104 {
      %swap3A = arith.index_cast %get3A_98 : i32 to index
      %swap3A_825 = arith.constant 0 : index
      %swap3A_826 = vector.load %arg10[%swap3A, %swap3A_825] : memref<4096x768xf32, #tpu.memory_space<vmem>>, vector<1x768xf32>
      tpu.vector_store %arg10[%swap3A, %swap3A_825], %slice3A_99 {strides = array<i32>} : memref<4096x768xf32, #tpu.memory_space<vmem>>, vector<1x768xf32>,
    } else {
    }
    %mul3A_105 = arith.constant 64 : i32
    %mul3A_106 = arith.muli %arg0, %mul3A_105 : i32
    %add3A_107 = arith.constant 4 : i32
    %add3A_108 = arith.addi %mul3A_106, %add3A_107 : i32
    %get3A_109 = arith.index_cast %add3A_108 : i32 to index
    %get3A_110 = memref.load %arg1[%get3A_109] : memref<4096xi32, #tpu.memory_space<smem>>
    %slice3A_111 = vector.extract_strided_slice %mul3A_58 {offsets = [4, 0], sizes = [1, 768], strides = [1, 1]} : vector<64x768xf32> to vector<1x768xf32>
    %ge3A_112 = arith.constant 0 : i32
    %ge3A_113 = arith.cmpi sge, %get3A_110, %ge3A_112 : i32
    %convert_element_type3A_114 = arith.extui %ge3A_113 : i1 to i32
    %cond3A_115 = arith.constant 0 : i32
    %cond3A_116 = arith.cmpi ne, %convert_element_type3A_114, %cond3A_115 : i32
    scf.if %cond3A_116 {
      %swap3A = arith.index_cast %get3A_110 : i32 to index
      %swap3A_825 = arith.constant 0 : index
      %swap3A_826 = vector.load %arg10[%swap3A, %swap3A_825] : memref<4096x768xf32, #tpu.memory_space<vmem>>, vector<1x768xf32>
      tpu.vector_store %arg10[%swap3A, %swap3A_825], %slice3A_111 {strides = array<i32>} : memref<4096x768xf32, #tpu.memory_space<vmem>>, vector<1x768xf32>,
    } else {
    }
    %mul3A_117 = arith.constant 64 : i32
    %mul3A_118 = arith.muli %arg0, %mul3A_117 : i32
    %add3A_119 = arith.constant 5 : i32
    %add3A_120 = arith.addi %mul3A_118, %add3A_119 : i32
    %get3A_121 = arith.index_cast %add3A_120 : i32 to index
    %get3A_122 = memref.load %arg1[%get3A_121] : memref<4096xi32, #tpu.memory_space<smem>>
    %slice3A_123 = vector.extract_strided_slice %mul3A_58 {offsets = [5, 0], sizes = [1, 768], strides = [1, 1]} : vector<64x768xf32> to vector<1x768xf32>
    %ge3A_124 = arith.constant 0 : i32
    %ge3A_125 = arith.cmpi sge, %get3A_122, %ge3A_124 : i32
    %convert_element_type3A_126 = arith.extui %ge3A_125 : i1 to i32
    %cond3A_127 = arith.constant 0 : i32
    %cond3A_128 = arith.cmpi ne, %convert_element_type3A_126, %cond3A_127 : i32
    scf.if %cond3A_128 {
      %swap3A = arith.index_cast %get3A_122 : i32 to index
      %swap3A_825 = arith.constant 0 : index
      %swap3A_826 = vector.load %arg10[%swap3A, %swap3A_825] : memref<4096x768xf32, #tpu.memory_space<vmem>>, vector<1x768xf32>
      tpu.vector_store %arg10[%swap3A, %swap3A_825], %slice3A_123 {strides = array<i32>} : memref<4096x768xf32, #tpu.memory_space<vmem>>, vector<1x768xf32>,
    } else {
    }
    %mul3A_129 = arith.constant 64 : i32
    %mul3A_130 = arith.muli %arg0, %mul3A_129 : i32
    %add3A_131 = arith.constant 6 : i32
    %add3A_132 = arith.addi %mul3A_130, %add3A_131 : i32
    %get3A_133 = arith.index_cast %add3A_132 : i32 to index
    %get3A_134 = memref.load %arg1[%get3A_133] : memref<4096xi32, #tpu.memory_space<smem>>
    %slice3A_135 = vector.extract_strided_slice %mul3A_58 {offsets = [6, 0], sizes = [1, 768], strides = [1, 1]} : vector<64x768xf32> to vector<1x768xf32>
    %ge3A_136 = arith.constant 0 : i32
    %ge3A_137 = arith.cmpi sge, %get3A_134, %ge3A_136 : i32
    %convert_element_type3A_138 = arith.extui %ge3A_137 : i1 to i32
    %cond3A_139 = arith.constant 0 : i32
    %cond3A_140 = arith.cmpi ne, %convert_element_type3A_138, %cond3A_139 : i32
    scf.if %cond3A_140 {
      %swap3A = arith.index_cast %get3A_134 : i32 to index
      %swap3A_825 = arith.constant 0 : index
      %swap3A_826 = vector.load %arg10[%swap3A, %swap3A_825] : memref<4096x768xf32, #tpu.memory_space<vmem>>, vector<1x768xf32>
      tpu.vector_store %arg10[%swap3A, %swap3A_825], %slice3A_135 {strides = array<i32>} : memref<4096x768xf32, #tpu.memory_space<vmem>>, vector<1x768xf32>,
    } else {
    }
    %mul3A_141 = arith.constant 64 : i32
    %mul3A_142 = arith.muli %arg0, %mul3A_141 : i32
    %add3A_143 = arith.constant 7 : i32
    %add3A_144 = arith.addi %mul3A_142, %add3A_143 : i32
    %get3A_145 = arith.index_cast %add3A_144 : i32 to index
    %get3A_146 = memref.load %arg1[%get3A_145] : memref<4096xi32, #tpu.memory_space<smem>>
    %slice3A_147 = vector.extract_strided_slice %mul3A_58 {offsets = [7, 0], sizes = [1, 768], strides = [1, 1]} : vector<64x768xf32> to vector<1x768xf32>
    %ge3A_148 = arith.constant 0 : i32
    %ge3A_149 = arith.cmpi sge, %get3A_146, %ge3A_148 : i32
    %convert_element_type3A_150 = arith.extui %ge3A_149 : i1 to i32
    %cond3A_151 = arith.constant 0 : i32
    %cond3A_152 = arith.cmpi ne, %convert_element_type3A_150, %cond3A_151 : i32
    scf.if %cond3A_152 {
      %swap3A = arith.index_cast %get3A_146 : i32 to index
      %swap3A_825 = arith.constant 0 : index
      %swap3A_826 = vector.load %arg10[%swap3A, %swap3A_825] : memref<4096x768xf32, #tpu.memory_space<vmem>>, vector<1x768xf32>
      tpu.vector_store %arg10[%swap3A, %swap3A_825], %slice3A_147 {strides = array<i32>} : memref<4096x768xf32, #tpu.memory_space<vmem>>, vector<1x768xf32>,
    } else {
    }
    %mul3A_153 = arith.constant 64 : i32
    %mul3A_154 = arith.muli %arg0, %mul3A_153 : i32
    %add3A_155 = arith.constant 8 : i32
    %add3A_156 = arith.addi %mul3A_154, %add3A_155 : i32
    %get3A_157 = arith.index_cast %add3A_156 : i32 to index
    %get3A_158 = memref.load %arg1[%get3A_157] : memref<4096xi32, #tpu.memory_space<smem>>
    %slice3A_159 = vector.extract_strided_slice %mul3A_58 {offsets = [8, 0], sizes = [1, 768], strides = [1, 1]} : vector<64x768xf32> to vector<1x768xf32>
    %ge3A_160 = arith.constant 0 : i32
    %ge3A_161 = arith.cmpi sge, %get3A_158, %ge3A_160 : i32
    %convert_element_type3A_162 = arith.extui %ge3A_161 : i1 to i32
    %cond3A_163 = arith.constant 0 : i32
    %cond3A_164 = arith.cmpi ne, %convert_element_type3A_162, %cond3A_163 : i32
    scf.if %cond3A_164 {
      %swap3A = arith.index_cast %get3A_158 : i32 to index
      %swap3A_825 = arith.constant 0 : index
      %swap3A_826 = vector.load %arg10[%swap3A, %swap3A_825] : memref<4096x768xf32, #tpu.memory_space<vmem>>, vector<1x768xf32>
      tpu.vector_store %arg10[%swap3A, %swap3A_825], %slice3A_159 {strides = array<i32>} : memref<4096x768xf32, #tpu.memory_space<vmem>>, vector<1x768xf32>,
    } else {
    }
    %mul3A_165 = arith.constant 64 : i32
    %mul3A_166 = arith.muli %arg0, %mul3A_165 : i32
    %add3A_167 = arith.constant 9 : i32
    %add3A_168 = arith.addi %mul3A_166, %add3A_167 : i32
    %get3A_169 = arith.index_cast %add3A_168 : i32 to index
    %get3A_170 = memref.load %arg1[%get3A_169] : memref<4096xi32, #tpu.memory_space<smem>>
    %slice3A_171 = vector.extract_strided_slice %mul3A_58 {offsets = [9, 0], sizes = [1, 768], strides = [1, 1]} : vector<64x768xf32> to vector<1x768xf32>
    %ge3A_172 = arith.constant 0 : i32
    %ge3A_173 = arith.cmpi sge, %get3A_170, %ge3A_172 : i32
    %convert_element_type3A_174 = arith.extui %ge3A_173 : i1 to i32
    %cond3A_175 = arith.constant 0 : i32
    %cond3A_176 = arith.cmpi ne, %convert_element_type3A_174, %cond3A_175 : i32
    scf.if %cond3A_176 {
      %swap3A = arith.index_cast %get3A_170 : i32 to index
      %swap3A_825 = arith.constant 0 : index
      %swap3A_826 = vector.load %arg10[%swap3A, %swap3A_825] : memref<4096x768xf32, #tpu.memory_space<vmem>>, vector<1x768xf32>
      tpu.vector_store %arg10[%swap3A, %swap3A_825], %slice3A_171 {strides = array<i32>} : memref<4096x768xf32, #tpu.memory_space<vmem>>, vector<1x768xf32>,
    } else {
    }
    %mul3A_177 = arith.constant 64 : i32
    %mul3A_178 = arith.muli %arg0, %mul3A_177 : i32
    %add3A_179 = arith.constant 10 : i32
    %add3A_180 = arith.addi %mul3A_178, %add3A_179 : i32
    %get3A_181 = arith.index_cast %add3A_180 : i32 to index
    %get3A_182 = memref.load %arg1[%get3A_181] : memref<4096xi32, #tpu.memory_space<smem>>
    %slice3A_183 = vector.extract_strided_slice %mul3A_58 {offsets = [10, 0], sizes = [1, 768], strides = [1, 1]} : vector<64x768xf32> to vector<1x768xf32>
    %ge3A_184 = arith.constant 0 : i32
    %ge3A_185 = arith.cmpi sge, %get3A_182, %ge3A_184 : i32
    %convert_element_type3A_186 = arith.extui %ge3A_185 : i1 to i32
    %cond3A_187 = arith.constant 0 : i32
    %cond3A_188 = arith.cmpi ne, %convert_element_type3A_186, %cond3A_187 : i32
    scf.if %cond3A_188 {
      %swap3A = arith.index_cast %get3A_182 : i32 to index
      %swap3A_825 = arith.constant 0 : index
      %swap3A_826 = vector.load %arg10[%swap3A, %swap3A_825] : memref<4096x768xf32, #tpu.memory_space<vmem>>, vector<1x768xf32>
      tpu.vector_store %arg10[%swap3A, %swap3A_825], %slice3A_183 {strides = array<i32>} : memref<4096x768xf32, #tpu.memory_space<vmem>>, vector<1x768xf32>,
    } else {
    }
    %mul3A_189 = arith.constant 64 : i32
    %mul3A_190 = arith.muli %arg0, %mul3A_189 : i32
    %add3A_191 = arith.constant 11 : i32
    %add3A_192 = arith.addi %mul3A_190, %add3A_191 : i32
    %get3A_193 = arith.index_cast %add3A_192 : i32 to index
    %get3A_194 = memref.load %arg1[%get3A_193] : memref<4096xi32, #tpu.memory_space<smem>>
    %slice3A_195 = vector.extract_strided_slice %mul3A_58 {offsets = [11, 0], sizes = [1, 768], strides = [1, 1]} : vector<64x768xf32> to vector<1x768xf32>
    %ge3A_196 = arith.constant 0 : i32
    %ge3A_197 = arith.cmpi sge, %get3A_194, %ge3A_196 : i32
    %convert_element_type3A_198 = arith.extui %ge3A_197 : i1 to i32
    %cond3A_199 = arith.constant 0 : i32
    %cond3A_200 = arith.cmpi ne, %convert_element_type3A_198, %cond3A_199 : i32
    scf.if %cond3A_200 {
      %swap3A = arith.index_cast %get3A_194 : i32 to index
      %swap3A_825 = arith.constant 0 : index
      %swap3A_826 = vector.load %arg10[%swap3A, %swap3A_825] : memref<4096x768xf32, #tpu.memory_space<vmem>>, vector<1x768xf32>
      tpu.vector_store %arg10[%swap3A, %swap3A_825], %slice3A_195 {strides = array<i32>} : memref<4096x768xf32, #tpu.memory_space<vmem>>, vector<1x768xf32>,
    } else {
    }
    %mul3A_201 = arith.constant 64 : i32
    %mul3A_202 = arith.muli %arg0, %mul3A_201 : i32
    %add3A_203 = arith.constant 12 : i32
    %add3A_204 = arith.addi %mul3A_202, %add3A_203 : i32
    %get3A_205 = arith.index_cast %add3A_204 : i32 to index
    %get3A_206 = memref.load %arg1[%get3A_205] : memref<4096xi32, #tpu.memory_space<smem>>
    %slice3A_207 = vector.extract_strided_slice %mul3A_58 {offsets = [12, 0], sizes = [1, 768], strides = [1, 1]} : vector<64x768xf32> to vector<1x768xf32>
    %ge3A_208 = arith.constant 0 : i32
    %ge3A_209 = arith.cmpi sge, %get3A_206, %ge3A_208 : i32
    %convert_element_type3A_210 = arith.extui %ge3A_209 : i1 to i32
    %cond3A_211 = arith.constant 0 : i32
    %cond3A_212 = arith.cmpi ne, %convert_element_type3A_210, %cond3A_211 : i32
    scf.if %cond3A_212 {
      %swap3A = arith.index_cast %get3A_206 : i32 to index
      %swap3A_825 = arith.constant 0 : index
      %swap3A_826 = vector.load %arg10[%swap3A, %swap3A_825] : memref<4096x768xf32, #tpu.memory_space<vmem>>, vector<1x768xf32>
      tpu.vector_store %arg10[%swap3A, %swap3A_825], %slice3A_207 {strides = array<i32>} : memref<4096x768xf32, #tpu.memory_space<vmem>>, vector<1x768xf32>,
    } else {
    }
    %mul3A_213 = arith.constant 64 : i32
    %mul3A_214 = arith.muli %arg0, %mul3A_213 : i32
    %add3A_215 = arith.constant 13 : i32
    %add3A_216 = arith.addi %mul3A_214, %add3A_215 : i32
    %get3A_217 = arith.index_cast %add3A_216 : i32 to index
    %get3A_218 = memref.load %arg1[%get3A_217] : memref<4096xi32, #tpu.memory_space<smem>>
    %slice3A_219 = vector.extract_strided_slice %mul3A_58 {offsets = [13, 0], sizes = [1, 768], strides = [1, 1]} : vector<64x768xf32> to vector<1x768xf32>
    %ge3A_220 = arith.constant 0 : i32
    %ge3A_221 = arith.cmpi sge, %get3A_218, %ge3A_220 : i32
    %convert_element_type3A_222 = arith.extui %ge3A_221 : i1 to i32
    %cond3A_223 = arith.constant 0 : i32
    %cond3A_224 = arith.cmpi ne, %convert_element_type3A_222, %cond3A_223 : i32
    scf.if %cond3A_224 {
      %swap3A = arith.index_cast %get3A_218 : i32 to index
      %swap3A_825 = arith.constant 0 : index
      %swap3A_826 = vector.load %arg10[%swap3A, %swap3A_825] : memref<4096x768xf32, #tpu.memory_space<vmem>>, vector<1x768xf32>
      tpu.vector_store %arg10[%swap3A, %swap3A_825], %slice3A_219 {strides = array<i32>} : memref<4096x768xf32, #tpu.memory_space<vmem>>, vector<1x768xf32>,
    } else {
    }
    %mul3A_225 = arith.constant 64 : i32
    %mul3A_226 = arith.muli %arg0, %mul3A_225 : i32
    %add3A_227 = arith.constant 14 : i32
    %add3A_228 = arith.addi %mul3A_226, %add3A_227 : i32
    %get3A_229 = arith.index_cast %add3A_228 : i32 to index
    %get3A_230 = memref.load %arg1[%get3A_229] : memref<4096xi32, #tpu.memory_space<smem>>
    %slice3A_231 = vector.extract_strided_slice %mul3A_58 {offsets = [14, 0], sizes = [1, 768], strides = [1, 1]} : vector<64x768xf32> to vector<1x768xf32>
    %ge3A_232 = arith.constant 0 : i32
    %ge3A_233 = arith.cmpi sge, %get3A_230, %ge3A_232 : i32
    %convert_element_type3A_234 = arith.extui %ge3A_233 : i1 to i32
    %cond3A_235 = arith.constant 0 : i32
    %cond3A_236 = arith.cmpi ne, %convert_element_type3A_234, %cond3A_235 : i32
    scf.if %cond3A_236 {
      %swap3A = arith.index_cast %get3A_230 : i32 to index
      %swap3A_825 = arith.constant 0 : index
      %swap3A_826 = vector.load %arg10[%swap3A, %swap3A_825] : memref<4096x768xf32, #tpu.memory_space<vmem>>, vector<1x768xf32>
      tpu.vector_store %arg10[%swap3A, %swap3A_825], %slice3A_231 {strides = array<i32>} : memref<4096x768xf32, #tpu.memory_space<vmem>>, vector<1x768xf32>,
    } else {
    }
    %mul3A_237 = arith.constant 64 : i32
    %mul3A_238 = arith.muli %arg0, %mul3A_237 : i32
    %add3A_239 = arith.constant 15 : i32
    %add3A_240 = arith.addi %mul3A_238, %add3A_239 : i32
    %get3A_241 = arith.index_cast %add3A_240 : i32 to index
    %get3A_242 = memref.load %arg1[%get3A_241] : memref<4096xi32, #tpu.memory_space<smem>>
    %slice3A_243 = vector.extract_strided_slice %mul3A_58 {offsets = [15, 0], sizes = [1, 768], strides = [1, 1]} : vector<64x768xf32> to vector<1x768xf32>
    %ge3A_244 = arith.constant 0 : i32
    %ge3A_245 = arith.cmpi sge, %get3A_242, %ge3A_244 : i32
    %convert_element_type3A_246 = arith.extui %ge3A_245 : i1 to i32
    %cond3A_247 = arith.constant 0 : i32
    %cond3A_248 = arith.cmpi ne, %convert_element_type3A_246, %cond3A_247 : i32
    scf.if %cond3A_248 {
      %swap3A = arith.index_cast %get3A_242 : i32 to index
      %swap3A_825 = arith.constant 0 : index
      %swap3A_826 = vector.load %arg10[%swap3A, %swap3A_825] : memref<4096x768xf32, #tpu.memory_space<vmem>>, vector<1x768xf32>
      tpu.vector_store %arg10[%swap3A, %swap3A_825], %slice3A_243 {strides = array<i32>} : memref<4096x768xf32, #tpu.memory_space<vmem>>, vector<1x768xf32>,
    } else {
    }
    %mul3A_249 = arith.constant 64 : i32
    %mul3A_250 = arith.muli %arg0, %mul3A_249 : i32
    %add3A_251 = arith.constant 16 : i32
    %add3A_252 = arith.addi %mul3A_250, %add3A_251 : i32
    %get3A_253 = arith.index_cast %add3A_252 : i32 to index
    %get3A_254 = memref.load %arg1[%get3A_253] : memref<4096xi32, #tpu.memory_space<smem>>
    %slice3A_255 = vector.extract_strided_slice %mul3A_58 {offsets = [16, 0], sizes = [1, 768], strides = [1, 1]} : vector<64x768xf32> to vector<1x768xf32>
    %ge3A_256 = arith.constant 0 : i32
    %ge3A_257 = arith.cmpi sge, %get3A_254, %ge3A_256 : i32
    %convert_element_type3A_258 = arith.extui %ge3A_257 : i1 to i32
    %cond3A_259 = arith.constant 0 : i32
    %cond3A_260 = arith.cmpi ne, %convert_element_type3A_258, %cond3A_259 : i32
    scf.if %cond3A_260 {
      %swap3A = arith.index_cast %get3A_254 : i32 to index
      %swap3A_825 = arith.constant 0 : index
      %swap3A_826 = vector.load %arg10[%swap3A, %swap3A_825] : memref<4096x768xf32, #tpu.memory_space<vmem>>, vector<1x768xf32>
      tpu.vector_store %arg10[%swap3A, %swap3A_825], %slice3A_255 {strides = array<i32>} : memref<4096x768xf32, #tpu.memory_space<vmem>>, vector<1x768xf32>,
    } else {
    }
    %mul3A_261 = arith.constant 64 : i32
    %mul3A_262 = arith.muli %arg0, %mul3A_261 : i32
    %add3A_263 = arith.constant 17 : i32
    %add3A_264 = arith.addi %mul3A_262, %add3A_263 : i32
    %get3A_265 = arith.index_cast %add3A_264 : i32 to index
    %get3A_266 = memref.load %arg1[%get3A_265] : memref<4096xi32, #tpu.memory_space<smem>>
    %slice3A_267 = vector.extract_strided_slice %mul3A_58 {offsets = [17, 0], sizes = [1, 768], strides = [1, 1]} : vector<64x768xf32> to vector<1x768xf32>
    %ge3A_268 = arith.constant 0 : i32
    %ge3A_269 = arith.cmpi sge, %get3A_266, %ge3A_268 : i32
    %convert_element_type3A_270 = arith.extui %ge3A_269 : i1 to i32
    %cond3A_271 = arith.constant 0 : i32
    %cond3A_272 = arith.cmpi ne, %convert_element_type3A_270, %cond3A_271 : i32
    scf.if %cond3A_272 {
      %swap3A = arith.index_cast %get3A_266 : i32 to index
      %swap3A_825 = arith.constant 0 : index
      %swap3A_826 = vector.load %arg10[%swap3A, %swap3A_825] : memref<4096x768xf32, #tpu.memory_space<vmem>>, vector<1x768xf32>
      tpu.vector_store %arg10[%swap3A, %swap3A_825], %slice3A_267 {strides = array<i32>} : memref<4096x768xf32, #tpu.memory_space<vmem>>, vector<1x768xf32>,
    } else {
    }
    %mul3A_273 = arith.constant 64 : i32
    %mul3A_274 = arith.muli %arg0, %mul3A_273 : i32
    %add3A_275 = arith.constant 18 : i32
    %add3A_276 = arith.addi %mul3A_274, %add3A_275 : i32
    %get3A_277 = arith.index_cast %add3A_276 : i32 to index
    %get3A_278 = memref.load %arg1[%get3A_277] : memref<4096xi32, #tpu.memory_space<smem>>
    %slice3A_279 = vector.extract_strided_slice %mul3A_58 {offsets = [18, 0], sizes = [1, 768], strides = [1, 1]} : vector<64x768xf32> to vector<1x768xf32>
    %ge3A_280 = arith.constant 0 : i32
    %ge3A_281 = arith.cmpi sge, %get3A_278, %ge3A_280 : i32
    %convert_element_type3A_282 = arith.extui %ge3A_281 : i1 to i32
    %cond3A_283 = arith.constant 0 : i32
    %cond3A_284 = arith.cmpi ne, %convert_element_type3A_282, %cond3A_283 : i32
    scf.if %cond3A_284 {
      %swap3A = arith.index_cast %get3A_278 : i32 to index
      %swap3A_825 = arith.constant 0 : index
      %swap3A_826 = vector.load %arg10[%swap3A, %swap3A_825] : memref<4096x768xf32, #tpu.memory_space<vmem>>, vector<1x768xf32>
      tpu.vector_store %arg10[%swap3A, %swap3A_825], %slice3A_279 {strides = array<i32>} : memref<4096x768xf32, #tpu.memory_space<vmem>>, vector<1x768xf32>,
    } else {
    }
    %mul3A_285 = arith.constant 64 : i32
    %mul3A_286 = arith.muli %arg0, %mul3A_285 : i32
    %add3A_287 = arith.constant 19 : i32
    %add3A_288 = arith.addi %mul3A_286, %add3A_287 : i32
    %get3A_289 = arith.index_cast %add3A_288 : i32 to index
    %get3A_290 = memref.load %arg1[%get3A_289] : memref<4096xi32, #tpu.memory_space<smem>>
    %slice3A_291 = vector.extract_strided_slice %mul3A_58 {offsets = [19, 0], sizes = [1, 768], strides = [1, 1]} : vector<64x768xf32> to vector<1x768xf32>
    %ge3A_292 = arith.constant 0 : i32
    %ge3A_293 = arith.cmpi sge, %get3A_290, %ge3A_292 : i32
    %convert_element_type3A_294 = arith.extui %ge3A_293 : i1 to i32
    %cond3A_295 = arith.constant 0 : i32
    %cond3A_296 = arith.cmpi ne, %convert_element_type3A_294, %cond3A_295 : i32
    scf.if %cond3A_296 {
      %swap3A = arith.index_cast %get3A_290 : i32 to index
      %swap3A_825 = arith.constant 0 : index
      %swap3A_826 = vector.load %arg10[%swap3A, %swap3A_825] : memref<4096x768xf32, #tpu.memory_space<vmem>>, vector<1x768xf32>
      tpu.vector_store %arg10[%swap3A, %swap3A_825], %slice3A_291 {strides = array<i32>} : memref<4096x768xf32, #tpu.memory_space<vmem>>, vector<1x768xf32>,
    } else {
    }
    %mul3A_297 = arith.constant 64 : i32
    %mul3A_298 = arith.muli %arg0, %mul3A_297 : i32
    %add3A_299 = arith.constant 20 : i32
    %add3A_300 = arith.addi %mul3A_298, %add3A_299 : i32
    %get3A_301 = arith.index_cast %add3A_300 : i32 to index
    %get3A_302 = memref.load %arg1[%get3A_301] : memref<4096xi32, #tpu.memory_space<smem>>
    %slice3A_303 = vector.extract_strided_slice %mul3A_58 {offsets = [20, 0], sizes = [1, 768], strides = [1, 1]} : vector<64x768xf32> to vector<1x768xf32>
    %ge3A_304 = arith.constant 0 : i32
    %ge3A_305 = arith.cmpi sge, %get3A_302, %ge3A_304 : i32
    %convert_element_type3A_306 = arith.extui %ge3A_305 : i1 to i32
    %cond3A_307 = arith.constant 0 : i32
    %cond3A_308 = arith.cmpi ne, %convert_element_type3A_306, %cond3A_307 : i32
    scf.if %cond3A_308 {
      %swap3A = arith.index_cast %get3A_302 : i32 to index
      %swap3A_825 = arith.constant 0 : index
      %swap3A_826 = vector.load %arg10[%swap3A, %swap3A_825] : memref<4096x768xf32, #tpu.memory_space<vmem>>, vector<1x768xf32>
      tpu.vector_store %arg10[%swap3A, %swap3A_825], %slice3A_303 {strides = array<i32>} : memref<4096x768xf32, #tpu.memory_space<vmem>>, vector<1x768xf32>,
    } else {
    }
    %mul3A_309 = arith.constant 64 : i32
    %mul3A_310 = arith.muli %arg0, %mul3A_309 : i32
    %add3A_311 = arith.constant 21 : i32
    %add3A_312 = arith.addi %mul3A_310, %add3A_311 : i32
    %get3A_313 = arith.index_cast %add3A_312 : i32 to index
    %get3A_314 = memref.load %arg1[%get3A_313] : memref<4096xi32, #tpu.memory_space<smem>>
    %slice3A_315 = vector.extract_strided_slice %mul3A_58 {offsets = [21, 0], sizes = [1, 768], strides = [1, 1]} : vector<64x768xf32> to vector<1x768xf32>
    %ge3A_316 = arith.constant 0 : i32
    %ge3A_317 = arith.cmpi sge, %get3A_314, %ge3A_316 : i32
    %convert_element_type3A_318 = arith.extui %ge3A_317 : i1 to i32
    %cond3A_319 = arith.constant 0 : i32
    %cond3A_320 = arith.cmpi ne, %convert_element_type3A_318, %cond3A_319 : i32
    scf.if %cond3A_320 {
      %swap3A = arith.index_cast %get3A_314 : i32 to index
      %swap3A_825 = arith.constant 0 : index
      %swap3A_826 = vector.load %arg10[%swap3A, %swap3A_825] : memref<4096x768xf32, #tpu.memory_space<vmem>>, vector<1x768xf32>
      tpu.vector_store %arg10[%swap3A, %swap3A_825], %slice3A_315 {strides = array<i32>} : memref<4096x768xf32, #tpu.memory_space<vmem>>, vector<1x768xf32>,
    } else {
    }
    %mul3A_321 = arith.constant 64 : i32
    %mul3A_322 = arith.muli %arg0, %mul3A_321 : i32
    %add3A_323 = arith.constant 22 : i32
    %add3A_324 = arith.addi %mul3A_322, %add3A_323 : i32
    %get3A_325 = arith.index_cast %add3A_324 : i32 to index
    %get3A_326 = memref.load %arg1[%get3A_325] : memref<4096xi32, #tpu.memory_space<smem>>
    %slice3A_327 = vector.extract_strided_slice %mul3A_58 {offsets = [22, 0], sizes = [1, 768], strides = [1, 1]} : vector<64x768xf32> to vector<1x768xf32>
    %ge3A_328 = arith.constant 0 : i32
    %ge3A_329 = arith.cmpi sge, %get3A_326, %ge3A_328 : i32
    %convert_element_type3A_330 = arith.extui %ge3A_329 : i1 to i32
    %cond3A_331 = arith.constant 0 : i32
    %cond3A_332 = arith.cmpi ne, %convert_element_type3A_330, %cond3A_331 : i32
    scf.if %cond3A_332 {
      %swap3A = arith.index_cast %get3A_326 : i32 to index
      %swap3A_825 = arith.constant 0 : index
      %swap3A_826 = vector.load %arg10[%swap3A, %swap3A_825] : memref<4096x768xf32, #tpu.memory_space<vmem>>, vector<1x768xf32>
      tpu.vector_store %arg10[%swap3A, %swap3A_825], %slice3A_327 {strides = array<i32>} : memref<4096x768xf32, #tpu.memory_space<vmem>>, vector<1x768xf32>,
    } else {
    }
    %mul3A_333 = arith.constant 64 : i32
    %mul3A_334 = arith.muli %arg0, %mul3A_333 : i32
    %add3A_335 = arith.constant 23 : i32
    %add3A_336 = arith.addi %mul3A_334, %add3A_335 : i32
    %get3A_337 = arith.index_cast %add3A_336 : i32 to index
    %get3A_338 = memref.load %arg1[%get3A_337] : memref<4096xi32, #tpu.memory_space<smem>>
    %slice3A_339 = vector.extract_strided_slice %mul3A_58 {offsets = [23, 0], sizes = [1, 768], strides = [1, 1]} : vector<64x768xf32> to vector<1x768xf32>
    %ge3A_340 = arith.constant 0 : i32
    %ge3A_341 = arith.cmpi sge, %get3A_338, %ge3A_340 : i32
    %convert_element_type3A_342 = arith.extui %ge3A_341 : i1 to i32
    %cond3A_343 = arith.constant 0 : i32
    %cond3A_344 = arith.cmpi ne, %convert_element_type3A_342, %cond3A_343 : i32
    scf.if %cond3A_344 {
      %swap3A = arith.index_cast %get3A_338 : i32 to index
      %swap3A_825 = arith.constant 0 : index
      %swap3A_826 = vector.load %arg10[%swap3A, %swap3A_825] : memref<4096x768xf32, #tpu.memory_space<vmem>>, vector<1x768xf32>
      tpu.vector_store %arg10[%swap3A, %swap3A_825], %slice3A_339 {strides = array<i32>} : memref<4096x768xf32, #tpu.memory_space<vmem>>, vector<1x768xf32>,
    } else {
    }
    %mul3A_345 = arith.constant 64 : i32
    %mul3A_346 = arith.muli %arg0, %mul3A_345 : i32
    %add3A_347 = arith.constant 24 : i32
    %add3A_348 = arith.addi %mul3A_346, %add3A_347 : i32
    %get3A_349 = arith.index_cast %add3A_348 : i32 to index
    %get3A_350 = memref.load %arg1[%get3A_349] : memref<4096xi32, #tpu.memory_space<smem>>
    %slice3A_351 = vector.extract_strided_slice %mul3A_58 {offsets = [24, 0], sizes = [1, 768], strides = [1, 1]} : vector<64x768xf32> to vector<1x768xf32>
    %ge3A_352 = arith.constant 0 : i32
    %ge3A_353 = arith.cmpi sge, %get3A_350, %ge3A_352 : i32
    %convert_element_type3A_354 = arith.extui %ge3A_353 : i1 to i32
    %cond3A_355 = arith.constant 0 : i32
    %cond3A_356 = arith.cmpi ne, %convert_element_type3A_354, %cond3A_355 : i32
    scf.if %cond3A_356 {
      %swap3A = arith.index_cast %get3A_350 : i32 to index
      %swap3A_825 = arith.constant 0 : index
      %swap3A_826 = vector.load %arg10[%swap3A, %swap3A_825] : memref<4096x768xf32, #tpu.memory_space<vmem>>, vector<1x768xf32>
      tpu.vector_store %arg10[%swap3A, %swap3A_825], %slice3A_351 {strides = array<i32>} : memref<4096x768xf32, #tpu.memory_space<vmem>>, vector<1x768xf32>,
    } else {
    }
    %mul3A_357 = arith.constant 64 : i32
    %mul3A_358 = arith.muli %arg0, %mul3A_357 : i32
    %add3A_359 = arith.constant 25 : i32
    %add3A_360 = arith.addi %mul3A_358, %add3A_359 : i32
    %get3A_361 = arith.index_cast %add3A_360 : i32 to index
    %get3A_362 = memref.load %arg1[%get3A_361] : memref<4096xi32, #tpu.memory_space<smem>>
    %slice3A_363 = vector.extract_strided_slice %mul3A_58 {offsets = [25, 0], sizes = [1, 768], strides = [1, 1]} : vector<64x768xf32> to vector<1x768xf32>
    %ge3A_364 = arith.constant 0 : i32
    %ge3A_365 = arith.cmpi sge, %get3A_362, %ge3A_364 : i32
    %convert_element_type3A_366 = arith.extui %ge3A_365 : i1 to i32
    %cond3A_367 = arith.constant 0 : i32
    %cond3A_368 = arith.cmpi ne, %convert_element_type3A_366, %cond3A_367 : i32
    scf.if %cond3A_368 {
      %swap3A = arith.index_cast %get3A_362 : i32 to index
      %swap3A_825 = arith.constant 0 : index
      %swap3A_826 = vector.load %arg10[%swap3A, %swap3A_825] : memref<4096x768xf32, #tpu.memory_space<vmem>>, vector<1x768xf32>
      tpu.vector_store %arg10[%swap3A, %swap3A_825], %slice3A_363 {strides = array<i32>} : memref<4096x768xf32, #tpu.memory_space<vmem>>, vector<1x768xf32>,
    } else {
    }
    %mul3A_369 = arith.constant 64 : i32
    %mul3A_370 = arith.muli %arg0, %mul3A_369 : i32
    %add3A_371 = arith.constant 26 : i32
    %add3A_372 = arith.addi %mul3A_370, %add3A_371 : i32
    %get3A_373 = arith.index_cast %add3A_372 : i32 to index
    %get3A_374 = memref.load %arg1[%get3A_373] : memref<4096xi32, #tpu.memory_space<smem>>
    %slice3A_375 = vector.extract_strided_slice %mul3A_58 {offsets = [26, 0], sizes = [1, 768], strides = [1, 1]} : vector<64x768xf32> to vector<1x768xf32>
    %ge3A_376 = arith.constant 0 : i32
    %ge3A_377 = arith.cmpi sge, %get3A_374, %ge3A_376 : i32
    %convert_element_type3A_378 = arith.extui %ge3A_377 : i1 to i32
    %cond3A_379 = arith.constant 0 : i32
    %cond3A_380 = arith.cmpi ne, %convert_element_type3A_378, %cond3A_379 : i32
    scf.if %cond3A_380 {
      %swap3A = arith.index_cast %get3A_374 : i32 to index
      %swap3A_825 = arith.constant 0 : index
      %swap3A_826 = vector.load %arg10[%swap3A, %swap3A_825] : memref<4096x768xf32, #tpu.memory_space<vmem>>, vector<1x768xf32>
      tpu.vector_store %arg10[%swap3A, %swap3A_825], %slice3A_375 {strides = array<i32>} : memref<4096x768xf32, #tpu.memory_space<vmem>>, vector<1x768xf32>,
    } else {
    }
    %mul3A_381 = arith.constant 64 : i32
    %mul3A_382 = arith.muli %arg0, %mul3A_381 : i32
    %add3A_383 = arith.constant 27 : i32
    %add3A_384 = arith.addi %mul3A_382, %add3A_383 : i32
    %get3A_385 = arith.index_cast %add3A_384 : i32 to index
    %get3A_386 = memref.load %arg1[%get3A_385] : memref<4096xi32, #tpu.memory_space<smem>>
    %slice3A_387 = vector.extract_strided_slice %mul3A_58 {offsets = [27, 0], sizes = [1, 768], strides = [1, 1]} : vector<64x768xf32> to vector<1x768xf32>
    %ge3A_388 = arith.constant 0 : i32
    %ge3A_389 = arith.cmpi sge, %get3A_386, %ge3A_388 : i32
    %convert_element_type3A_390 = arith.extui %ge3A_389 : i1 to i32
    %cond3A_391 = arith.constant 0 : i32
    %cond3A_392 = arith.cmpi ne, %convert_element_type3A_390, %cond3A_391 : i32
    scf.if %cond3A_392 {
      %swap3A = arith.index_cast %get3A_386 : i32 to index
      %swap3A_825 = arith.constant 0 : index
      %swap3A_826 = vector.load %arg10[%swap3A, %swap3A_825] : memref<4096x768xf32, #tpu.memory_space<vmem>>, vector<1x768xf32>
      tpu.vector_store %arg10[%swap3A, %swap3A_825], %slice3A_387 {strides = array<i32>} : memref<4096x768xf32, #tpu.memory_space<vmem>>, vector<1x768xf32>,
    } else {
    }
    %mul3A_393 = arith.constant 64 : i32
    %mul3A_394 = arith.muli %arg0, %mul3A_393 : i32
    %add3A_395 = arith.constant 28 : i32
    %add3A_396 = arith.addi %mul3A_394, %add3A_395 : i32
    %get3A_397 = arith.index_cast %add3A_396 : i32 to index
    %get3A_398 = memref.load %arg1[%get3A_397] : memref<4096xi32, #tpu.memory_space<smem>>
    %slice3A_399 = vector.extract_strided_slice %mul3A_58 {offsets = [28, 0], sizes = [1, 768], strides = [1, 1]} : vector<64x768xf32> to vector<1x768xf32>
    %ge3A_400 = arith.constant 0 : i32
    %ge3A_401 = arith.cmpi sge, %get3A_398, %ge3A_400 : i32
    %convert_element_type3A_402 = arith.extui %ge3A_401 : i1 to i32
    %cond3A_403 = arith.constant 0 : i32
    %cond3A_404 = arith.cmpi ne, %convert_element_type3A_402, %cond3A_403 : i32
    scf.if %cond3A_404 {
      %swap3A = arith.index_cast %get3A_398 : i32 to index
      %swap3A_825 = arith.constant 0 : index
      %swap3A_826 = vector.load %arg10[%swap3A, %swap3A_825] : memref<4096x768xf32, #tpu.memory_space<vmem>>, vector<1x768xf32>
      tpu.vector_store %arg10[%swap3A, %swap3A_825], %slice3A_399 {strides = array<i32>} : memref<4096x768xf32, #tpu.memory_space<vmem>>, vector<1x768xf32>,
    } else {
    }
    %mul3A_405 = arith.constant 64 : i32
    %mul3A_406 = arith.muli %arg0, %mul3A_405 : i32
    %add3A_407 = arith.constant 29 : i32
    %add3A_408 = arith.addi %mul3A_406, %add3A_407 : i32
    %get3A_409 = arith.index_cast %add3A_408 : i32 to index
    %get3A_410 = memref.load %arg1[%get3A_409] : memref<4096xi32, #tpu.memory_space<smem>>
    %slice3A_411 = vector.extract_strided_slice %mul3A_58 {offsets = [29, 0], sizes = [1, 768], strides = [1, 1]} : vector<64x768xf32> to vector<1x768xf32>
    %ge3A_412 = arith.constant 0 : i32
    %ge3A_413 = arith.cmpi sge, %get3A_410, %ge3A_412 : i32
    %convert_element_type3A_414 = arith.extui %ge3A_413 : i1 to i32
    %cond3A_415 = arith.constant 0 : i32
    %cond3A_416 = arith.cmpi ne, %convert_element_type3A_414, %cond3A_415 : i32
    scf.if %cond3A_416 {
      %swap3A = arith.index_cast %get3A_410 : i32 to index
      %swap3A_825 = arith.constant 0 : index
      %swap3A_826 = vector.load %arg10[%swap3A, %swap3A_825] : memref<4096x768xf32, #tpu.memory_space<vmem>>, vector<1x768xf32>
      tpu.vector_store %arg10[%swap3A, %swap3A_825], %slice3A_411 {strides = array<i32>} : memref<4096x768xf32, #tpu.memory_space<vmem>>, vector<1x768xf32>,
    } else {
    }
    %mul3A_417 = arith.constant 64 : i32
    %mul3A_418 = arith.muli %arg0, %mul3A_417 : i32
    %add3A_419 = arith.constant 30 : i32
    %add3A_420 = arith.addi %mul3A_418, %add3A_419 : i32
    %get3A_421 = arith.index_cast %add3A_420 : i32 to index
    %get3A_422 = memref.load %arg1[%get3A_421] : memref<4096xi32, #tpu.memory_space<smem>>
    %slice3A_423 = vector.extract_strided_slice %mul3A_58 {offsets = [30, 0], sizes = [1, 768], strides = [1, 1]} : vector<64x768xf32> to vector<1x768xf32>
    %ge3A_424 = arith.constant 0 : i32
    %ge3A_425 = arith.cmpi sge, %get3A_422, %ge3A_424 : i32
    %convert_element_type3A_426 = arith.extui %ge3A_425 : i1 to i32
    %cond3A_427 = arith.constant 0 : i32
    %cond3A_428 = arith.cmpi ne, %convert_element_type3A_426, %cond3A_427 : i32
    scf.if %cond3A_428 {
      %swap3A = arith.index_cast %get3A_422 : i32 to index
      %swap3A_825 = arith.constant 0 : index
      %swap3A_826 = vector.load %arg10[%swap3A, %swap3A_825] : memref<4096x768xf32, #tpu.memory_space<vmem>>, vector<1x768xf32>
      tpu.vector_store %arg10[%swap3A, %swap3A_825], %slice3A_423 {strides = array<i32>} : memref<4096x768xf32, #tpu.memory_space<vmem>>, vector<1x768xf32>,
    } else {
    }
    %mul3A_429 = arith.constant 64 : i32
    %mul3A_430 = arith.muli %arg0, %mul3A_429 : i32
    %add3A_431 = arith.constant 31 : i32
    %add3A_432 = arith.addi %mul3A_430, %add3A_431 : i32
    %get3A_433 = arith.index_cast %add3A_432 : i32 to index
    %get3A_434 = memref.load %arg1[%get3A_433] : memref<4096xi32, #tpu.memory_space<smem>>
    %slice3A_435 = vector.extract_strided_slice %mul3A_58 {offsets = [31, 0], sizes = [1, 768], strides = [1, 1]} : vector<64x768xf32> to vector<1x768xf32>
    %ge3A_436 = arith.constant 0 : i32
    %ge3A_437 = arith.cmpi sge, %get3A_434, %ge3A_436 : i32
    %convert_element_type3A_438 = arith.extui %ge3A_437 : i1 to i32
    %cond3A_439 = arith.constant 0 : i32
    %cond3A_440 = arith.cmpi ne, %convert_element_type3A_438, %cond3A_439 : i32
    scf.if %cond3A_440 {
      %swap3A = arith.index_cast %get3A_434 : i32 to index
      %swap3A_825 = arith.constant 0 : index
      %swap3A_826 = vector.load %arg10[%swap3A, %swap3A_825] : memref<4096x768xf32, #tpu.memory_space<vmem>>, vector<1x768xf32>
      tpu.vector_store %arg10[%swap3A, %swap3A_825], %slice3A_435 {strides = array<i32>} : memref<4096x768xf32, #tpu.memory_space<vmem>>, vector<1x768xf32>,
    } else {
    }
    %mul3A_441 = arith.constant 64 : i32
    %mul3A_442 = arith.muli %arg0, %mul3A_441 : i32
    %add3A_443 = arith.constant 32 : i32
    %add3A_444 = arith.addi %mul3A_442, %add3A_443 : i32
    %get3A_445 = arith.index_cast %add3A_444 : i32 to index
    %get3A_446 = memref.load %arg1[%get3A_445] : memref<4096xi32, #tpu.memory_space<smem>>
    %slice3A_447 = vector.extract_strided_slice %mul3A_58 {offsets = [32, 0], sizes = [1, 768], strides = [1, 1]} : vector<64x768xf32> to vector<1x768xf32>
    %ge3A_448 = arith.constant 0 : i32
    %ge3A_449 = arith.cmpi sge, %get3A_446, %ge3A_448 : i32
    %convert_element_type3A_450 = arith.extui %ge3A_449 : i1 to i32
    %cond3A_451 = arith.constant 0 : i32
    %cond3A_452 = arith.cmpi ne, %convert_element_type3A_450, %cond3A_451 : i32
    scf.if %cond3A_452 {
      %swap3A = arith.index_cast %get3A_446 : i32 to index
      %swap3A_825 = arith.constant 0 : index
      %swap3A_826 = vector.load %arg10[%swap3A, %swap3A_825] : memref<4096x768xf32, #tpu.memory_space<vmem>>, vector<1x768xf32>
      tpu.vector_store %arg10[%swap3A, %swap3A_825], %slice3A_447 {strides = array<i32>} : memref<4096x768xf32, #tpu.memory_space<vmem>>, vector<1x768xf32>,
    } else {
    }
    %mul3A_453 = arith.constant 64 : i32
    %mul3A_454 = arith.muli %arg0, %mul3A_453 : i32
    %add3A_455 = arith.constant 33 : i32
    %add3A_456 = arith.addi %mul3A_454, %add3A_455 : i32
    %get3A_457 = arith.index_cast %add3A_456 : i32 to index
    %get3A_458 = memref.load %arg1[%get3A_457] : memref<4096xi32, #tpu.memory_space<smem>>
    %slice3A_459 = vector.extract_strided_slice %mul3A_58 {offsets = [33, 0], sizes = [1, 768], strides = [1, 1]} : vector<64x768xf32> to vector<1x768xf32>
    %ge3A_460 = arith.constant 0 : i32
    %ge3A_461 = arith.cmpi sge, %get3A_458, %ge3A_460 : i32
    %convert_element_type3A_462 = arith.extui %ge3A_461 : i1 to i32
    %cond3A_463 = arith.constant 0 : i32
    %cond3A_464 = arith.cmpi ne, %convert_element_type3A_462, %cond3A_463 : i32
    scf.if %cond3A_464 {
      %swap3A = arith.index_cast %get3A_458 : i32 to index
      %swap3A_825 = arith.constant 0 : index
      %swap3A_826 = vector.load %arg10[%swap3A, %swap3A_825] : memref<4096x768xf32, #tpu.memory_space<vmem>>, vector<1x768xf32>
      tpu.vector_store %arg10[%swap3A, %swap3A_825], %slice3A_459 {strides = array<i32>} : memref<4096x768xf32, #tpu.memory_space<vmem>>, vector<1x768xf32>,
    } else {
    }
    %mul3A_465 = arith.constant 64 : i32
    %mul3A_466 = arith.muli %arg0, %mul3A_465 : i32
    %add3A_467 = arith.constant 34 : i32
    %add3A_468 = arith.addi %mul3A_466, %add3A_467 : i32
    %get3A_469 = arith.index_cast %add3A_468 : i32 to index
    %get3A_470 = memref.load %arg1[%get3A_469] : memref<4096xi32, #tpu.memory_space<smem>>
    %slice3A_471 = vector.extract_strided_slice %mul3A_58 {offsets = [34, 0], sizes = [1, 768], strides = [1, 1]} : vector<64x768xf32> to vector<1x768xf32>
    %ge3A_472 = arith.constant 0 : i32
    %ge3A_473 = arith.cmpi sge, %get3A_470, %ge3A_472 : i32
    %convert_element_type3A_474 = arith.extui %ge3A_473 : i1 to i32
    %cond3A_475 = arith.constant 0 : i32
    %cond3A_476 = arith.cmpi ne, %convert_element_type3A_474, %cond3A_475 : i32
    scf.if %cond3A_476 {
      %swap3A = arith.index_cast %get3A_470 : i32 to index
      %swap3A_825 = arith.constant 0 : index
      %swap3A_826 = vector.load %arg10[%swap3A, %swap3A_825] : memref<4096x768xf32, #tpu.memory_space<vmem>>, vector<1x768xf32>
      tpu.vector_store %arg10[%swap3A, %swap3A_825], %slice3A_471 {strides = array<i32>} : memref<4096x768xf32, #tpu.memory_space<vmem>>, vector<1x768xf32>,
    } else {
    }
    %mul3A_477 = arith.constant 64 : i32
    %mul3A_478 = arith.muli %arg0, %mul3A_477 : i32
    %add3A_479 = arith.constant 35 : i32
    %add3A_480 = arith.addi %mul3A_478, %add3A_479 : i32
    %get3A_481 = arith.index_cast %add3A_480 : i32 to index
    %get3A_482 = memref.load %arg1[%get3A_481] : memref<4096xi32, #tpu.memory_space<smem>>
    %slice3A_483 = vector.extract_strided_slice %mul3A_58 {offsets = [35, 0], sizes = [1, 768], strides = [1, 1]} : vector<64x768xf32> to vector<1x768xf32>
    %ge3A_484 = arith.constant 0 : i32
    %ge3A_485 = arith.cmpi sge, %get3A_482, %ge3A_484 : i32
    %convert_element_type3A_486 = arith.extui %ge3A_485 : i1 to i32
    %cond3A_487 = arith.constant 0 : i32
    %cond3A_488 = arith.cmpi ne, %convert_element_type3A_486, %cond3A_487 : i32
    scf.if %cond3A_488 {
      %swap3A = arith.index_cast %get3A_482 : i32 to index
      %swap3A_825 = arith.constant 0 : index
      %swap3A_826 = vector.load %arg10[%swap3A, %swap3A_825] : memref<4096x768xf32, #tpu.memory_space<vmem>>, vector<1x768xf32>
      tpu.vector_store %arg10[%swap3A, %swap3A_825], %slice3A_483 {strides = array<i32>} : memref<4096x768xf32, #tpu.memory_space<vmem>>, vector<1x768xf32>,
    } else {
    }
    %mul3A_489 = arith.constant 64 : i32
    %mul3A_490 = arith.muli %arg0, %mul3A_489 : i32
    %add3A_491 = arith.constant 36 : i32
    %add3A_492 = arith.addi %mul3A_490, %add3A_491 : i32
    %get3A_493 = arith.index_cast %add3A_492 : i32 to index
    %get3A_494 = memref.load %arg1[%get3A_493] : memref<4096xi32, #tpu.memory_space<smem>>
    %slice3A_495 = vector.extract_strided_slice %mul3A_58 {offsets = [36, 0], sizes = [1, 768], strides = [1, 1]} : vector<64x768xf32> to vector<1x768xf32>
    %ge3A_496 = arith.constant 0 : i32
    %ge3A_497 = arith.cmpi sge, %get3A_494, %ge3A_496 : i32
    %convert_element_type3A_498 = arith.extui %ge3A_497 : i1 to i32
    %cond3A_499 = arith.constant 0 : i32
    %cond3A_500 = arith.cmpi ne, %convert_element_type3A_498, %cond3A_499 : i32
    scf.if %cond3A_500 {
      %swap3A = arith.index_cast %get3A_494 : i32 to index
      %swap3A_825 = arith.constant 0 : index
      %swap3A_826 = vector.load %arg10[%swap3A, %swap3A_825] : memref<4096x768xf32, #tpu.memory_space<vmem>>, vector<1x768xf32>
      tpu.vector_store %arg10[%swap3A, %swap3A_825], %slice3A_495 {strides = array<i32>} : memref<4096x768xf32, #tpu.memory_space<vmem>>, vector<1x768xf32>,
    } else {
    }
    %mul3A_501 = arith.constant 64 : i32
    %mul3A_502 = arith.muli %arg0, %mul3A_501 : i32
    %add3A_503 = arith.constant 37 : i32
    %add3A_504 = arith.addi %mul3A_502, %add3A_503 : i32
    %get3A_505 = arith.index_cast %add3A_504 : i32 to index
    %get3A_506 = memref.load %arg1[%get3A_505] : memref<4096xi32, #tpu.memory_space<smem>>
    %slice3A_507 = vector.extract_strided_slice %mul3A_58 {offsets = [37, 0], sizes = [1, 768], strides = [1, 1]} : vector<64x768xf32> to vector<1x768xf32>
    %ge3A_508 = arith.constant 0 : i32
    %ge3A_509 = arith.cmpi sge, %get3A_506, %ge3A_508 : i32
    %convert_element_type3A_510 = arith.extui %ge3A_509 : i1 to i32
    %cond3A_511 = arith.constant 0 : i32
    %cond3A_512 = arith.cmpi ne, %convert_element_type3A_510, %cond3A_511 : i32
    scf.if %cond3A_512 {
      %swap3A = arith.index_cast %get3A_506 : i32 to index
      %swap3A_825 = arith.constant 0 : index
      %swap3A_826 = vector.load %arg10[%swap3A, %swap3A_825] : memref<4096x768xf32, #tpu.memory_space<vmem>>, vector<1x768xf32>
      tpu.vector_store %arg10[%swap3A, %swap3A_825], %slice3A_507 {strides = array<i32>} : memref<4096x768xf32, #tpu.memory_space<vmem>>, vector<1x768xf32>,
    } else {
    }
    %mul3A_513 = arith.constant 64 : i32
    %mul3A_514 = arith.muli %arg0, %mul3A_513 : i32
    %add3A_515 = arith.constant 38 : i32
    %add3A_516 = arith.addi %mul3A_514, %add3A_515 : i32
    %get3A_517 = arith.index_cast %add3A_516 : i32 to index
    %get3A_518 = memref.load %arg1[%get3A_517] : memref<4096xi32, #tpu.memory_space<smem>>
    %slice3A_519 = vector.extract_strided_slice %mul3A_58 {offsets = [38, 0], sizes = [1, 768], strides = [1, 1]} : vector<64x768xf32> to vector<1x768xf32>
    %ge3A_520 = arith.constant 0 : i32
    %ge3A_521 = arith.cmpi sge, %get3A_518, %ge3A_520 : i32
    %convert_element_type3A_522 = arith.extui %ge3A_521 : i1 to i32
    %cond3A_523 = arith.constant 0 : i32
    %cond3A_524 = arith.cmpi ne, %convert_element_type3A_522, %cond3A_523 : i32
    scf.if %cond3A_524 {
      %swap3A = arith.index_cast %get3A_518 : i32 to index
      %swap3A_825 = arith.constant 0 : index
      %swap3A_826 = vector.load %arg10[%swap3A, %swap3A_825] : memref<4096x768xf32, #tpu.memory_space<vmem>>, vector<1x768xf32>
      tpu.vector_store %arg10[%swap3A, %swap3A_825], %slice3A_519 {strides = array<i32>} : memref<4096x768xf32, #tpu.memory_space<vmem>>, vector<1x768xf32>,
    } else {
    }
    %mul3A_525 = arith.constant 64 : i32
    %mul3A_526 = arith.muli %arg0, %mul3A_525 : i32
    %add3A_527 = arith.constant 39 : i32
    %add3A_528 = arith.addi %mul3A_526, %add3A_527 : i32
    %get3A_529 = arith.index_cast %add3A_528 : i32 to index
    %get3A_530 = memref.load %arg1[%get3A_529] : memref<4096xi32, #tpu.memory_space<smem>>
    %slice3A_531 = vector.extract_strided_slice %mul3A_58 {offsets = [39, 0], sizes = [1, 768], strides = [1, 1]} : vector<64x768xf32> to vector<1x768xf32>
    %ge3A_532 = arith.constant 0 : i32
    %ge3A_533 = arith.cmpi sge, %get3A_530, %ge3A_532 : i32
    %convert_element_type3A_534 = arith.extui %ge3A_533 : i1 to i32
    %cond3A_535 = arith.constant 0 : i32
    %cond3A_536 = arith.cmpi ne, %convert_element_type3A_534, %cond3A_535 : i32
    scf.if %cond3A_536 {
      %swap3A = arith.index_cast %get3A_530 : i32 to index
      %swap3A_825 = arith.constant 0 : index
      %swap3A_826 = vector.load %arg10[%swap3A, %swap3A_825] : memref<4096x768xf32, #tpu.memory_space<vmem>>, vector<1x768xf32>
      tpu.vector_store %arg10[%swap3A, %swap3A_825], %slice3A_531 {strides = array<i32>} : memref<4096x768xf32, #tpu.memory_space<vmem>>, vector<1x768xf32>,
    } else {
    }
    %mul3A_537 = arith.constant 64 : i32
    %mul3A_538 = arith.muli %arg0, %mul3A_537 : i32
    %add3A_539 = arith.constant 40 : i32
    %add3A_540 = arith.addi %mul3A_538, %add3A_539 : i32
    %get3A_541 = arith.index_cast %add3A_540 : i32 to index
    %get3A_542 = memref.load %arg1[%get3A_541] : memref<4096xi32, #tpu.memory_space<smem>>
    %slice3A_543 = vector.extract_strided_slice %mul3A_58 {offsets = [40, 0], sizes = [1, 768], strides = [1, 1]} : vector<64x768xf32> to vector<1x768xf32>
    %ge3A_544 = arith.constant 0 : i32
    %ge3A_545 = arith.cmpi sge, %get3A_542, %ge3A_544 : i32
    %convert_element_type3A_546 = arith.extui %ge3A_545 : i1 to i32
    %cond3A_547 = arith.constant 0 : i32
    %cond3A_548 = arith.cmpi ne, %convert_element_type3A_546, %cond3A_547 : i32
    scf.if %cond3A_548 {
      %swap3A = arith.index_cast %get3A_542 : i32 to index
      %swap3A_825 = arith.constant 0 : index
      %swap3A_826 = vector.load %arg10[%swap3A, %swap3A_825] : memref<4096x768xf32, #tpu.memory_space<vmem>>, vector<1x768xf32>
      tpu.vector_store %arg10[%swap3A, %swap3A_825], %slice3A_543 {strides = array<i32>} : memref<4096x768xf32, #tpu.memory_space<vmem>>, vector<1x768xf32>,
    } else {
    }
    %mul3A_549 = arith.constant 64 : i32
    %mul3A_550 = arith.muli %arg0, %mul3A_549 : i32
    %add3A_551 = arith.constant 41 : i32
    %add3A_552 = arith.addi %mul3A_550, %add3A_551 : i32
    %get3A_553 = arith.index_cast %add3A_552 : i32 to index
    %get3A_554 = memref.load %arg1[%get3A_553] : memref<4096xi32, #tpu.memory_space<smem>>
    %slice3A_555 = vector.extract_strided_slice %mul3A_58 {offsets = [41, 0], sizes = [1, 768], strides = [1, 1]} : vector<64x768xf32> to vector<1x768xf32>
    %ge3A_556 = arith.constant 0 : i32
    %ge3A_557 = arith.cmpi sge, %get3A_554, %ge3A_556 : i32
    %convert_element_type3A_558 = arith.extui %ge3A_557 : i1 to i32
    %cond3A_559 = arith.constant 0 : i32
    %cond3A_560 = arith.cmpi ne, %convert_element_type3A_558, %cond3A_559 : i32
    scf.if %cond3A_560 {
      %swap3A = arith.index_cast %get3A_554 : i32 to index
      %swap3A_825 = arith.constant 0 : index
      %swap3A_826 = vector.load %arg10[%swap3A, %swap3A_825] : memref<4096x768xf32, #tpu.memory_space<vmem>>, vector<1x768xf32>
      tpu.vector_store %arg10[%swap3A, %swap3A_825], %slice3A_555 {strides = array<i32>} : memref<4096x768xf32, #tpu.memory_space<vmem>>, vector<1x768xf32>,
    } else {
    }
    %mul3A_561 = arith.constant 64 : i32
    %mul3A_562 = arith.muli %arg0, %mul3A_561 : i32
    %add3A_563 = arith.constant 42 : i32
    %add3A_564 = arith.addi %mul3A_562, %add3A_563 : i32
    %get3A_565 = arith.index_cast %add3A_564 : i32 to index
    %get3A_566 = memref.load %arg1[%get3A_565] : memref<4096xi32, #tpu.memory_space<smem>>
    %slice3A_567 = vector.extract_strided_slice %mul3A_58 {offsets = [42, 0], sizes = [1, 768], strides = [1, 1]} : vector<64x768xf32> to vector<1x768xf32>
    %ge3A_568 = arith.constant 0 : i32
    %ge3A_569 = arith.cmpi sge, %get3A_566, %ge3A_568 : i32
    %convert_element_type3A_570 = arith.extui %ge3A_569 : i1 to i32
    %cond3A_571 = arith.constant 0 : i32
    %cond3A_572 = arith.cmpi ne, %convert_element_type3A_570, %cond3A_571 : i32
    scf.if %cond3A_572 {
      %swap3A = arith.index_cast %get3A_566 : i32 to index
      %swap3A_825 = arith.constant 0 : index
      %swap3A_826 = vector.load %arg10[%swap3A, %swap3A_825] : memref<4096x768xf32, #tpu.memory_space<vmem>>, vector<1x768xf32>
      tpu.vector_store %arg10[%swap3A, %swap3A_825], %slice3A_567 {strides = array<i32>} : memref<4096x768xf32, #tpu.memory_space<vmem>>, vector<1x768xf32>,
    } else {
    }
    %mul3A_573 = arith.constant 64 : i32
    %mul3A_574 = arith.muli %arg0, %mul3A_573 : i32
    %add3A_575 = arith.constant 43 : i32
    %add3A_576 = arith.addi %mul3A_574, %add3A_575 : i32
    %get3A_577 = arith.index_cast %add3A_576 : i32 to index
    %get3A_578 = memref.load %arg1[%get3A_577] : memref<4096xi32, #tpu.memory_space<smem>>
    %slice3A_579 = vector.extract_strided_slice %mul3A_58 {offsets = [43, 0], sizes = [1, 768], strides = [1, 1]} : vector<64x768xf32> to vector<1x768xf32>
    %ge3A_580 = arith.constant 0 : i32
    %ge3A_581 = arith.cmpi sge, %get3A_578, %ge3A_580 : i32
    %convert_element_type3A_582 = arith.extui %ge3A_581 : i1 to i32
    %cond3A_583 = arith.constant 0 : i32
    %cond3A_584 = arith.cmpi ne, %convert_element_type3A_582, %cond3A_583 : i32
    scf.if %cond3A_584 {
      %swap3A = arith.index_cast %get3A_578 : i32 to index
      %swap3A_825 = arith.constant 0 : index
      %swap3A_826 = vector.load %arg10[%swap3A, %swap3A_825] : memref<4096x768xf32, #tpu.memory_space<vmem>>, vector<1x768xf32>
      tpu.vector_store %arg10[%swap3A, %swap3A_825], %slice3A_579 {strides = array<i32>} : memref<4096x768xf32, #tpu.memory_space<vmem>>, vector<1x768xf32>,
    } else {
    }
    %mul3A_585 = arith.constant 64 : i32
    %mul3A_586 = arith.muli %arg0, %mul3A_585 : i32
    %add3A_587 = arith.constant 44 : i32
    %add3A_588 = arith.addi %mul3A_586, %add3A_587 : i32
    %get3A_589 = arith.index_cast %add3A_588 : i32 to index
    %get3A_590 = memref.load %arg1[%get3A_589] : memref<4096xi32, #tpu.memory_space<smem>>
    %slice3A_591 = vector.extract_strided_slice %mul3A_58 {offsets = [44, 0], sizes = [1, 768], strides = [1, 1]} : vector<64x768xf32> to vector<1x768xf32>
    %ge3A_592 = arith.constant 0 : i32
    %ge3A_593 = arith.cmpi sge, %get3A_590, %ge3A_592 : i32
    %convert_element_type3A_594 = arith.extui %ge3A_593 : i1 to i32
    %cond3A_595 = arith.constant 0 : i32
    %cond3A_596 = arith.cmpi ne, %convert_element_type3A_594, %cond3A_595 : i32
    scf.if %cond3A_596 {
      %swap3A = arith.index_cast %get3A_590 : i32 to index
      %swap3A_825 = arith.constant 0 : index
      %swap3A_826 = vector.load %arg10[%swap3A, %swap3A_825] : memref<4096x768xf32, #tpu.memory_space<vmem>>, vector<1x768xf32>
      tpu.vector_store %arg10[%swap3A, %swap3A_825], %slice3A_591 {strides = array<i32>} : memref<4096x768xf32, #tpu.memory_space<vmem>>, vector<1x768xf32>,
    } else {
    }
    %mul3A_597 = arith.constant 64 : i32
    %mul3A_598 = arith.muli %arg0, %mul3A_597 : i32
    %add3A_599 = arith.constant 45 : i32
    %add3A_600 = arith.addi %mul3A_598, %add3A_599 : i32
    %get3A_601 = arith.index_cast %add3A_600 : i32 to index
    %get3A_602 = memref.load %arg1[%get3A_601] : memref<4096xi32, #tpu.memory_space<smem>>
    %slice3A_603 = vector.extract_strided_slice %mul3A_58 {offsets = [45, 0], sizes = [1, 768], strides = [1, 1]} : vector<64x768xf32> to vector<1x768xf32>
    %ge3A_604 = arith.constant 0 : i32
    %ge3A_605 = arith.cmpi sge, %get3A_602, %ge3A_604 : i32
    %convert_element_type3A_606 = arith.extui %ge3A_605 : i1 to i32
    %cond3A_607 = arith.constant 0 : i32
    %cond3A_608 = arith.cmpi ne, %convert_element_type3A_606, %cond3A_607 : i32
    scf.if %cond3A_608 {
      %swap3A = arith.index_cast %get3A_602 : i32 to index
      %swap3A_825 = arith.constant 0 : index
      %swap3A_826 = vector.load %arg10[%swap3A, %swap3A_825] : memref<4096x768xf32, #tpu.memory_space<vmem>>, vector<1x768xf32>
      tpu.vector_store %arg10[%swap3A, %swap3A_825], %slice3A_603 {strides = array<i32>} : memref<4096x768xf32, #tpu.memory_space<vmem>>, vector<1x768xf32>,
    } else {
    }
    %mul3A_609 = arith.constant 64 : i32
    %mul3A_610 = arith.muli %arg0, %mul3A_609 : i32
    %add3A_611 = arith.constant 46 : i32
    %add3A_612 = arith.addi %mul3A_610, %add3A_611 : i32
    %get3A_613 = arith.index_cast %add3A_612 : i32 to index
    %get3A_614 = memref.load %arg1[%get3A_613] : memref<4096xi32, #tpu.memory_space<smem>>
    %slice3A_615 = vector.extract_strided_slice %mul3A_58 {offsets = [46, 0], sizes = [1, 768], strides = [1, 1]} : vector<64x768xf32> to vector<1x768xf32>
    %ge3A_616 = arith.constant 0 : i32
    %ge3A_617 = arith.cmpi sge, %get3A_614, %ge3A_616 : i32
    %convert_element_type3A_618 = arith.extui %ge3A_617 : i1 to i32
    %cond3A_619 = arith.constant 0 : i32
    %cond3A_620 = arith.cmpi ne, %convert_element_type3A_618, %cond3A_619 : i32
    scf.if %cond3A_620 {
      %swap3A = arith.index_cast %get3A_614 : i32 to index
      %swap3A_825 = arith.constant 0 : index
      %swap3A_826 = vector.load %arg10[%swap3A, %swap3A_825] : memref<4096x768xf32, #tpu.memory_space<vmem>>, vector<1x768xf32>
      tpu.vector_store %arg10[%swap3A, %swap3A_825], %slice3A_615 {strides = array<i32>} : memref<4096x768xf32, #tpu.memory_space<vmem>>, vector<1x768xf32>,
    } else {
    }
    %mul3A_621 = arith.constant 64 : i32
    %mul3A_622 = arith.muli %arg0, %mul3A_621 : i32
    %add3A_623 = arith.constant 47 : i32
    %add3A_624 = arith.addi %mul3A_622, %add3A_623 : i32
    %get3A_625 = arith.index_cast %add3A_624 : i32 to index
    %get3A_626 = memref.load %arg1[%get3A_625] : memref<4096xi32, #tpu.memory_space<smem>>
    %slice3A_627 = vector.extract_strided_slice %mul3A_58 {offsets = [47, 0], sizes = [1, 768], strides = [1, 1]} : vector<64x768xf32> to vector<1x768xf32>
    %ge3A_628 = arith.constant 0 : i32
    %ge3A_629 = arith.cmpi sge, %get3A_626, %ge3A_628 : i32
    %convert_element_type3A_630 = arith.extui %ge3A_629 : i1 to i32
    %cond3A_631 = arith.constant 0 : i32
    %cond3A_632 = arith.cmpi ne, %convert_element_type3A_630, %cond3A_631 : i32
    scf.if %cond3A_632 {
      %swap3A = arith.index_cast %get3A_626 : i32 to index
      %swap3A_825 = arith.constant 0 : index
      %swap3A_826 = vector.load %arg10[%swap3A, %swap3A_825] : memref<4096x768xf32, #tpu.memory_space<vmem>>, vector<1x768xf32>
      tpu.vector_store %arg10[%swap3A, %swap3A_825], %slice3A_627 {strides = array<i32>} : memref<4096x768xf32, #tpu.memory_space<vmem>>, vector<1x768xf32>,
    } else {
    }
    %mul3A_633 = arith.constant 64 : i32
    %mul3A_634 = arith.muli %arg0, %mul3A_633 : i32
    %add3A_635 = arith.constant 48 : i32
    %add3A_636 = arith.addi %mul3A_634, %add3A_635 : i32
    %get3A_637 = arith.index_cast %add3A_636 : i32 to index
    %get3A_638 = memref.load %arg1[%get3A_637] : memref<4096xi32, #tpu.memory_space<smem>>
    %slice3A_639 = vector.extract_strided_slice %mul3A_58 {offsets = [48, 0], sizes = [1, 768], strides = [1, 1]} : vector<64x768xf32> to vector<1x768xf32>
    %ge3A_640 = arith.constant 0 : i32
    %ge3A_641 = arith.cmpi sge, %get3A_638, %ge3A_640 : i32
    %convert_element_type3A_642 = arith.extui %ge3A_641 : i1 to i32
    %cond3A_643 = arith.constant 0 : i32
    %cond3A_644 = arith.cmpi ne, %convert_element_type3A_642, %cond3A_643 : i32
    scf.if %cond3A_644 {
      %swap3A = arith.index_cast %get3A_638 : i32 to index
      %swap3A_825 = arith.constant 0 : index
      %swap3A_826 = vector.load %arg10[%swap3A, %swap3A_825] : memref<4096x768xf32, #tpu.memory_space<vmem>>, vector<1x768xf32>
      tpu.vector_store %arg10[%swap3A, %swap3A_825], %slice3A_639 {strides = array<i32>} : memref<4096x768xf32, #tpu.memory_space<vmem>>, vector<1x768xf32>,
    } else {
    }
    %mul3A_645 = arith.constant 64 : i32
    %mul3A_646 = arith.muli %arg0, %mul3A_645 : i32
    %add3A_647 = arith.constant 49 : i32
    %add3A_648 = arith.addi %mul3A_646, %add3A_647 : i32
    %get3A_649 = arith.index_cast %add3A_648 : i32 to index
    %get3A_650 = memref.load %arg1[%get3A_649] : memref<4096xi32, #tpu.memory_space<smem>>
    %slice3A_651 = vector.extract_strided_slice %mul3A_58 {offsets = [49, 0], sizes = [1, 768], strides = [1, 1]} : vector<64x768xf32> to vector<1x768xf32>
    %ge3A_652 = arith.constant 0 : i32
    %ge3A_653 = arith.cmpi sge, %get3A_650, %ge3A_652 : i32
    %convert_element_type3A_654 = arith.extui %ge3A_653 : i1 to i32
    %cond3A_655 = arith.constant 0 : i32
    %cond3A_656 = arith.cmpi ne, %convert_element_type3A_654, %cond3A_655 : i32
    scf.if %cond3A_656 {
      %swap3A = arith.index_cast %get3A_650 : i32 to index
      %swap3A_825 = arith.constant 0 : index
      %swap3A_826 = vector.load %arg10[%swap3A, %swap3A_825] : memref<4096x768xf32, #tpu.memory_space<vmem>>, vector<1x768xf32>
      tpu.vector_store %arg10[%swap3A, %swap3A_825], %slice3A_651 {strides = array<i32>} : memref<4096x768xf32, #tpu.memory_space<vmem>>, vector<1x768xf32>,
    } else {
    }
    %mul3A_657 = arith.constant 64 : i32
    %mul3A_658 = arith.muli %arg0, %mul3A_657 : i32
    %add3A_659 = arith.constant 50 : i32
    %add3A_660 = arith.addi %mul3A_658, %add3A_659 : i32
    %get3A_661 = arith.index_cast %add3A_660 : i32 to index
    %get3A_662 = memref.load %arg1[%get3A_661] : memref<4096xi32, #tpu.memory_space<smem>>
    %slice3A_663 = vector.extract_strided_slice %mul3A_58 {offsets = [50, 0], sizes = [1, 768], strides = [1, 1]} : vector<64x768xf32> to vector<1x768xf32>
    %ge3A_664 = arith.constant 0 : i32
    %ge3A_665 = arith.cmpi sge, %get3A_662, %ge3A_664 : i32
    %convert_element_type3A_666 = arith.extui %ge3A_665 : i1 to i32
    %cond3A_667 = arith.constant 0 : i32
    %cond3A_668 = arith.cmpi ne, %convert_element_type3A_666, %cond3A_667 : i32
    scf.if %cond3A_668 {
      %swap3A = arith.index_cast %get3A_662 : i32 to index
      %swap3A_825 = arith.constant 0 : index
      %swap3A_826 = vector.load %arg10[%swap3A, %swap3A_825] : memref<4096x768xf32, #tpu.memory_space<vmem>>, vector<1x768xf32>
      tpu.vector_store %arg10[%swap3A, %swap3A_825], %slice3A_663 {strides = array<i32>} : memref<4096x768xf32, #tpu.memory_space<vmem>>, vector<1x768xf32>,
    } else {
    }
    %mul3A_669 = arith.constant 64 : i32
    %mul3A_670 = arith.muli %arg0, %mul3A_669 : i32
    %add3A_671 = arith.constant 51 : i32
    %add3A_672 = arith.addi %mul3A_670, %add3A_671 : i32
    %get3A_673 = arith.index_cast %add3A_672 : i32 to index
    %get3A_674 = memref.load %arg1[%get3A_673] : memref<4096xi32, #tpu.memory_space<smem>>
    %slice3A_675 = vector.extract_strided_slice %mul3A_58 {offsets = [51, 0], sizes = [1, 768], strides = [1, 1]} : vector<64x768xf32> to vector<1x768xf32>
    %ge3A_676 = arith.constant 0 : i32
    %ge3A_677 = arith.cmpi sge, %get3A_674, %ge3A_676 : i32
    %convert_element_type3A_678 = arith.extui %ge3A_677 : i1 to i32
    %cond3A_679 = arith.constant 0 : i32
    %cond3A_680 = arith.cmpi ne, %convert_element_type3A_678, %cond3A_679 : i32
    scf.if %cond3A_680 {
      %swap3A = arith.index_cast %get3A_674 : i32 to index
      %swap3A_825 = arith.constant 0 : index
      %swap3A_826 = vector.load %arg10[%swap3A, %swap3A_825] : memref<4096x768xf32, #tpu.memory_space<vmem>>, vector<1x768xf32>
      tpu.vector_store %arg10[%swap3A, %swap3A_825], %slice3A_675 {strides = array<i32>} : memref<4096x768xf32, #tpu.memory_space<vmem>>, vector<1x768xf32>,
    } else {
    }
    %mul3A_681 = arith.constant 64 : i32
    %mul3A_682 = arith.muli %arg0, %mul3A_681 : i32
    %add3A_683 = arith.constant 52 : i32
    %add3A_684 = arith.addi %mul3A_682, %add3A_683 : i32
    %get3A_685 = arith.index_cast %add3A_684 : i32 to index
    %get3A_686 = memref.load %arg1[%get3A_685] : memref<4096xi32, #tpu.memory_space<smem>>
    %slice3A_687 = vector.extract_strided_slice %mul3A_58 {offsets = [52, 0], sizes = [1, 768], strides = [1, 1]} : vector<64x768xf32> to vector<1x768xf32>
    %ge3A_688 = arith.constant 0 : i32
    %ge3A_689 = arith.cmpi sge, %get3A_686, %ge3A_688 : i32
    %convert_element_type3A_690 = arith.extui %ge3A_689 : i1 to i32
    %cond3A_691 = arith.constant 0 : i32
    %cond3A_692 = arith.cmpi ne, %convert_element_type3A_690, %cond3A_691 : i32
    scf.if %cond3A_692 {
      %swap3A = arith.index_cast %get3A_686 : i32 to index
      %swap3A_825 = arith.constant 0 : index
      %swap3A_826 = vector.load %arg10[%swap3A, %swap3A_825] : memref<4096x768xf32, #tpu.memory_space<vmem>>, vector<1x768xf32>
      tpu.vector_store %arg10[%swap3A, %swap3A_825], %slice3A_687 {strides = array<i32>} : memref<4096x768xf32, #tpu.memory_space<vmem>>, vector<1x768xf32>,
    } else {
    }
    %mul3A_693 = arith.constant 64 : i32
    %mul3A_694 = arith.muli %arg0, %mul3A_693 : i32
    %add3A_695 = arith.constant 53 : i32
    %add3A_696 = arith.addi %mul3A_694, %add3A_695 : i32
    %get3A_697 = arith.index_cast %add3A_696 : i32 to index
    %get3A_698 = memref.load %arg1[%get3A_697] : memref<4096xi32, #tpu.memory_space<smem>>
    %slice3A_699 = vector.extract_strided_slice %mul3A_58 {offsets = [53, 0], sizes = [1, 768], strides = [1, 1]} : vector<64x768xf32> to vector<1x768xf32>
    %ge3A_700 = arith.constant 0 : i32
    %ge3A_701 = arith.cmpi sge, %get3A_698, %ge3A_700 : i32
    %convert_element_type3A_702 = arith.extui %ge3A_701 : i1 to i32
    %cond3A_703 = arith.constant 0 : i32
    %cond3A_704 = arith.cmpi ne, %convert_element_type3A_702, %cond3A_703 : i32
    scf.if %cond3A_704 {
      %swap3A = arith.index_cast %get3A_698 : i32 to index
      %swap3A_825 = arith.constant 0 : index
      %swap3A_826 = vector.load %arg10[%swap3A, %swap3A_825] : memref<4096x768xf32, #tpu.memory_space<vmem>>, vector<1x768xf32>
      tpu.vector_store %arg10[%swap3A, %swap3A_825], %slice3A_699 {strides = array<i32>} : memref<4096x768xf32, #tpu.memory_space<vmem>>, vector<1x768xf32>,
    } else {
    }
    %mul3A_705 = arith.constant 64 : i32
    %mul3A_706 = arith.muli %arg0, %mul3A_705 : i32
    %add3A_707 = arith.constant 54 : i32
    %add3A_708 = arith.addi %mul3A_706, %add3A_707 : i32
    %get3A_709 = arith.index_cast %add3A_708 : i32 to index
    %get3A_710 = memref.load %arg1[%get3A_709] : memref<4096xi32, #tpu.memory_space<smem>>
    %slice3A_711 = vector.extract_strided_slice %mul3A_58 {offsets = [54, 0], sizes = [1, 768], strides = [1, 1]} : vector<64x768xf32> to vector<1x768xf32>
    %ge3A_712 = arith.constant 0 : i32
    %ge3A_713 = arith.cmpi sge, %get3A_710, %ge3A_712 : i32
    %convert_element_type3A_714 = arith.extui %ge3A_713 : i1 to i32
    %cond3A_715 = arith.constant 0 : i32
    %cond3A_716 = arith.cmpi ne, %convert_element_type3A_714, %cond3A_715 : i32
    scf.if %cond3A_716 {
      %swap3A = arith.index_cast %get3A_710 : i32 to index
      %swap3A_825 = arith.constant 0 : index
      %swap3A_826 = vector.load %arg10[%swap3A, %swap3A_825] : memref<4096x768xf32, #tpu.memory_space<vmem>>, vector<1x768xf32>
      tpu.vector_store %arg10[%swap3A, %swap3A_825], %slice3A_711 {strides = array<i32>} : memref<4096x768xf32, #tpu.memory_space<vmem>>, vector<1x768xf32>,
    } else {
    }
    %mul3A_717 = arith.constant 64 : i32
    %mul3A_718 = arith.muli %arg0, %mul3A_717 : i32
    %add3A_719 = arith.constant 55 : i32
    %add3A_720 = arith.addi %mul3A_718, %add3A_719 : i32
    %get3A_721 = arith.index_cast %add3A_720 : i32 to index
    %get3A_722 = memref.load %arg1[%get3A_721] : memref<4096xi32, #tpu.memory_space<smem>>
    %slice3A_723 = vector.extract_strided_slice %mul3A_58 {offsets = [55, 0], sizes = [1, 768], strides = [1, 1]} : vector<64x768xf32> to vector<1x768xf32>
    %ge3A_724 = arith.constant 0 : i32
    %ge3A_725 = arith.cmpi sge, %get3A_722, %ge3A_724 : i32
    %convert_element_type3A_726 = arith.extui %ge3A_725 : i1 to i32
    %cond3A_727 = arith.constant 0 : i32
    %cond3A_728 = arith.cmpi ne, %convert_element_type3A_726, %cond3A_727 : i32
    scf.if %cond3A_728 {
      %swap3A = arith.index_cast %get3A_722 : i32 to index
      %swap3A_825 = arith.constant 0 : index
      %swap3A_826 = vector.load %arg10[%swap3A, %swap3A_825] : memref<4096x768xf32, #tpu.memory_space<vmem>>, vector<1x768xf32>
      tpu.vector_store %arg10[%swap3A, %swap3A_825], %slice3A_723 {strides = array<i32>} : memref<4096x768xf32, #tpu.memory_space<vmem>>, vector<1x768xf32>,
    } else {
    }
    %mul3A_729 = arith.constant 64 : i32
    %mul3A_730 = arith.muli %arg0, %mul3A_729 : i32
    %add3A_731 = arith.constant 56 : i32
    %add3A_732 = arith.addi %mul3A_730, %add3A_731 : i32
    %get3A_733 = arith.index_cast %add3A_732 : i32 to index
    %get3A_734 = memref.load %arg1[%get3A_733] : memref<4096xi32, #tpu.memory_space<smem>>
    %slice3A_735 = vector.extract_strided_slice %mul3A_58 {offsets = [56, 0], sizes = [1, 768], strides = [1, 1]} : vector<64x768xf32> to vector<1x768xf32>
    %ge3A_736 = arith.constant 0 : i32
    %ge3A_737 = arith.cmpi sge, %get3A_734, %ge3A_736 : i32
    %convert_element_type3A_738 = arith.extui %ge3A_737 : i1 to i32
    %cond3A_739 = arith.constant 0 : i32
    %cond3A_740 = arith.cmpi ne, %convert_element_type3A_738, %cond3A_739 : i32
    scf.if %cond3A_740 {
      %swap3A = arith.index_cast %get3A_734 : i32 to index
      %swap3A_825 = arith.constant 0 : index
      %swap3A_826 = vector.load %arg10[%swap3A, %swap3A_825] : memref<4096x768xf32, #tpu.memory_space<vmem>>, vector<1x768xf32>
      tpu.vector_store %arg10[%swap3A, %swap3A_825], %slice3A_735 {strides = array<i32>} : memref<4096x768xf32, #tpu.memory_space<vmem>>, vector<1x768xf32>,
    } else {
    }
    %mul3A_741 = arith.constant 64 : i32
    %mul3A_742 = arith.muli %arg0, %mul3A_741 : i32
    %add3A_743 = arith.constant 57 : i32
    %add3A_744 = arith.addi %mul3A_742, %add3A_743 : i32
    %get3A_745 = arith.index_cast %add3A_744 : i32 to index
    %get3A_746 = memref.load %arg1[%get3A_745] : memref<4096xi32, #tpu.memory_space<smem>>
    %slice3A_747 = vector.extract_strided_slice %mul3A_58 {offsets = [57, 0], sizes = [1, 768], strides = [1, 1]} : vector<64x768xf32> to vector<1x768xf32>
    %ge3A_748 = arith.constant 0 : i32
    %ge3A_749 = arith.cmpi sge, %get3A_746, %ge3A_748 : i32
    %convert_element_type3A_750 = arith.extui %ge3A_749 : i1 to i32
    %cond3A_751 = arith.constant 0 : i32
    %cond3A_752 = arith.cmpi ne, %convert_element_type3A_750, %cond3A_751 : i32
    scf.if %cond3A_752 {
      %swap3A = arith.index_cast %get3A_746 : i32 to index
      %swap3A_825 = arith.constant 0 : index
      %swap3A_826 = vector.load %arg10[%swap3A, %swap3A_825] : memref<4096x768xf32, #tpu.memory_space<vmem>>, vector<1x768xf32>
      tpu.vector_store %arg10[%swap3A, %swap3A_825], %slice3A_747 {strides = array<i32>} : memref<4096x768xf32, #tpu.memory_space<vmem>>, vector<1x768xf32>,
    } else {
    }
    %mul3A_753 = arith.constant 64 : i32
    %mul3A_754 = arith.muli %arg0, %mul3A_753 : i32
    %add3A_755 = arith.constant 58 : i32
    %add3A_756 = arith.addi %mul3A_754, %add3A_755 : i32
    %get3A_757 = arith.index_cast %add3A_756 : i32 to index
    %get3A_758 = memref.load %arg1[%get3A_757] : memref<4096xi32, #tpu.memory_space<smem>>
    %slice3A_759 = vector.extract_strided_slice %mul3A_58 {offsets = [58, 0], sizes = [1, 768], strides = [1, 1]} : vector<64x768xf32> to vector<1x768xf32>
    %ge3A_760 = arith.constant 0 : i32
    %ge3A_761 = arith.cmpi sge, %get3A_758, %ge3A_760 : i32
    %convert_element_type3A_762 = arith.extui %ge3A_761 : i1 to i32
    %cond3A_763 = arith.constant 0 : i32
    %cond3A_764 = arith.cmpi ne, %convert_element_type3A_762, %cond3A_763 : i32
    scf.if %cond3A_764 {
      %swap3A = arith.index_cast %get3A_758 : i32 to index
      %swap3A_825 = arith.constant 0 : index
      %swap3A_826 = vector.load %arg10[%swap3A, %swap3A_825] : memref<4096x768xf32, #tpu.memory_space<vmem>>, vector<1x768xf32>
      tpu.vector_store %arg10[%swap3A, %swap3A_825], %slice3A_759 {strides = array<i32>} : memref<4096x768xf32, #tpu.memory_space<vmem>>, vector<1x768xf32>,
    } else {
    }
    %mul3A_765 = arith.constant 64 : i32
    %mul3A_766 = arith.muli %arg0, %mul3A_765 : i32
    %add3A_767 = arith.constant 59 : i32
    %add3A_768 = arith.addi %mul3A_766, %add3A_767 : i32
    %get3A_769 = arith.index_cast %add3A_768 : i32 to index
    %get3A_770 = memref.load %arg1[%get3A_769] : memref<4096xi32, #tpu.memory_space<smem>>
    %slice3A_771 = vector.extract_strided_slice %mul3A_58 {offsets = [59, 0], sizes = [1, 768], strides = [1, 1]} : vector<64x768xf32> to vector<1x768xf32>
    %ge3A_772 = arith.constant 0 : i32
    %ge3A_773 = arith.cmpi sge, %get3A_770, %ge3A_772 : i32
    %convert_element_type3A_774 = arith.extui %ge3A_773 : i1 to i32
    %cond3A_775 = arith.constant 0 : i32
    %cond3A_776 = arith.cmpi ne, %convert_element_type3A_774, %cond3A_775 : i32
    scf.if %cond3A_776 {
      %swap3A = arith.index_cast %get3A_770 : i32 to index
      %swap3A_825 = arith.constant 0 : index
      %swap3A_826 = vector.load %arg10[%swap3A, %swap3A_825] : memref<4096x768xf32, #tpu.memory_space<vmem>>, vector<1x768xf32>
      tpu.vector_store %arg10[%swap3A, %swap3A_825], %slice3A_771 {strides = array<i32>} : memref<4096x768xf32, #tpu.memory_space<vmem>>, vector<1x768xf32>,
    } else {
    }
    %mul3A_777 = arith.constant 64 : i32
    %mul3A_778 = arith.muli %arg0, %mul3A_777 : i32
    %add3A_779 = arith.constant 60 : i32
    %add3A_780 = arith.addi %mul3A_778, %add3A_779 : i32
    %get3A_781 = arith.index_cast %add3A_780 : i32 to index
    %get3A_782 = memref.load %arg1[%get3A_781] : memref<4096xi32, #tpu.memory_space<smem>>
    %slice3A_783 = vector.extract_strided_slice %mul3A_58 {offsets = [60, 0], sizes = [1, 768], strides = [1, 1]} : vector<64x768xf32> to vector<1x768xf32>
    %ge3A_784 = arith.constant 0 : i32
    %ge3A_785 = arith.cmpi sge, %get3A_782, %ge3A_784 : i32
    %convert_element_type3A_786 = arith.extui %ge3A_785 : i1 to i32
    %cond3A_787 = arith.constant 0 : i32
    %cond3A_788 = arith.cmpi ne, %convert_element_type3A_786, %cond3A_787 : i32
    scf.if %cond3A_788 {
      %swap3A = arith.index_cast %get3A_782 : i32 to index
      %swap3A_825 = arith.constant 0 : index
      %swap3A_826 = vector.load %arg10[%swap3A, %swap3A_825] : memref<4096x768xf32, #tpu.memory_space<vmem>>, vector<1x768xf32>
      tpu.vector_store %arg10[%swap3A, %swap3A_825], %slice3A_783 {strides = array<i32>} : memref<4096x768xf32, #tpu.memory_space<vmem>>, vector<1x768xf32>,
    } else {
    }
    %mul3A_789 = arith.constant 64 : i32
    %mul3A_790 = arith.muli %arg0, %mul3A_789 : i32
    %add3A_791 = arith.constant 61 : i32
    %add3A_792 = arith.addi %mul3A_790, %add3A_791 : i32
    %get3A_793 = arith.index_cast %add3A_792 : i32 to index
    %get3A_794 = memref.load %arg1[%get3A_793] : memref<4096xi32, #tpu.memory_space<smem>>
    %slice3A_795 = vector.extract_strided_slice %mul3A_58 {offsets = [61, 0], sizes = [1, 768], strides = [1, 1]} : vector<64x768xf32> to vector<1x768xf32>
    %ge3A_796 = arith.constant 0 : i32
    %ge3A_797 = arith.cmpi sge, %get3A_794, %ge3A_796 : i32
    %convert_element_type3A_798 = arith.extui %ge3A_797 : i1 to i32
    %cond3A_799 = arith.constant 0 : i32
    %cond3A_800 = arith.cmpi ne, %convert_element_type3A_798, %cond3A_799 : i32
    scf.if %cond3A_800 {
      %swap3A = arith.index_cast %get3A_794 : i32 to index
      %swap3A_825 = arith.constant 0 : index
      %swap3A_826 = vector.load %arg10[%swap3A, %swap3A_825] : memref<4096x768xf32, #tpu.memory_space<vmem>>, vector<1x768xf32>
      tpu.vector_store %arg10[%swap3A, %swap3A_825], %slice3A_795 {strides = array<i32>} : memref<4096x768xf32, #tpu.memory_space<vmem>>, vector<1x768xf32>,
    } else {
    }
    %mul3A_801 = arith.constant 64 : i32
    %mul3A_802 = arith.muli %arg0, %mul3A_801 : i32
    %add3A_803 = arith.constant 62 : i32
    %add3A_804 = arith.addi %mul3A_802, %add3A_803 : i32
    %get3A_805 = arith.index_cast %add3A_804 : i32 to index
    %get3A_806 = memref.load %arg1[%get3A_805] : memref<4096xi32, #tpu.memory_space<smem>>
    %slice3A_807 = vector.extract_strided_slice %mul3A_58 {offsets = [62, 0], sizes = [1, 768], strides = [1, 1]} : vector<64x768xf32> to vector<1x768xf32>
    %ge3A_808 = arith.constant 0 : i32
    %ge3A_809 = arith.cmpi sge, %get3A_806, %ge3A_808 : i32
    %convert_element_type3A_810 = arith.extui %ge3A_809 : i1 to i32
    %cond3A_811 = arith.constant 0 : i32
    %cond3A_812 = arith.cmpi ne, %convert_element_type3A_810, %cond3A_811 : i32
    scf.if %cond3A_812 {
      %swap3A = arith.index_cast %get3A_806 : i32 to index
      %swap3A_825 = arith.constant 0 : index
      %swap3A_826 = vector.load %arg10[%swap3A, %swap3A_825] : memref<4096x768xf32, #tpu.memory_space<vmem>>, vector<1x768xf32>
      tpu.vector_store %arg10[%swap3A, %swap3A_825], %slice3A_807 {strides = array<i32>} : memref<4096x768xf32, #tpu.memory_space<vmem>>, vector<1x768xf32>,
    } else {
    }
    %mul3A_813 = arith.constant 64 : i32
    %mul3A_814 = arith.muli %arg0, %mul3A_813 : i32
    %add3A_815 = arith.constant 63 : i32
    %add3A_816 = arith.addi %mul3A_814, %add3A_815 : i32
    %get3A_817 = arith.index_cast %add3A_816 : i32 to index
    %get3A_818 = memref.load %arg1[%get3A_817] : memref<4096xi32, #tpu.memory_space<smem>>
    %slice3A_819 = vector.extract_strided_slice %mul3A_58 {offsets = [63, 0], sizes = [1, 768], strides = [1, 1]} : vector<64x768xf32> to vector<1x768xf32>
    %ge3A_820 = arith.constant 0 : i32
    %ge3A_821 = arith.cmpi sge, %get3A_818, %ge3A_820 : i32
    %convert_element_type3A_822 = arith.extui %ge3A_821 : i1 to i32
    %cond3A_823 = arith.constant 0 : i32
    %cond3A_824 = arith.cmpi ne, %convert_element_type3A_822, %cond3A_823 : i32
    scf.if %cond3A_824 {
      %swap3A = arith.index_cast %get3A_818 : i32 to index
      %swap3A_825 = arith.constant 0 : index
      %swap3A_826 = vector.load %arg10[%swap3A, %swap3A_825] : memref<4096x768xf32, #tpu.memory_space<vmem>>, vector<1x768xf32>
      tpu.vector_store %arg10[%swap3A, %swap3A_825], %slice3A_819 {strides = array<i32>} : memref<4096x768xf32, #tpu.memory_space<vmem>>, vector<1x768xf32>,
    } else {
    }
    return
  }
  func.func @transform_0(%arg0: i32, %arg1: memref<4096xi32, #tpu.memory_space<smem>>) -> (i32, i32) {
    %c0_i32 = arith.constant 0 : i32
    %c0_i32_0 = arith.constant 0 : i32
    return %arg0, %c0_i32 : i32, i32
  }
  func.func @transform_1(%arg0: i32, %arg1: memref<4096xi32, #tpu.memory_space<smem>>) -> (i32, i32, i32) {
    %c0_i32 = arith.constant 0 : i32
    %c0_i32_0 = arith.constant 0 : i32
    %c0_i32_1 = arith.constant 0 : i32
    return %arg0, %c0_i32, %c0_i32_0 : i32, i32, i32
  }
  func.func @transform_2(%arg0: i32, %arg1: memref<4096xi32, #tpu.memory_space<smem>>) -> (i32, i32, i32) {
    %c0_i32 = arith.constant 0 : i32
    %c0_i32_0 = arith.constant 0 : i32
    %c0_i32_1 = arith.constant 0 : i32
    return %arg0, %c0_i32, %c0_i32_0 : i32, i32, i32
  }
  func.func @transform_3(%arg0: i32, %arg1: memref<4096xi32, #tpu.memory_space<smem>>) -> (i32, i32, i32) {
    %c0_i32 = arith.constant 0 : i32
    %c0_i32_0 = arith.constant 0 : i32
    %c0_i32_1 = arith.constant 0 : i32
    return %arg0, %c0_i32, %c0_i32_0 : i32, i32, i32
  }
  func.func @transform_4(%arg0: i32, %arg1: memref<4096xi32, #tpu.memory_space<smem>>) -> (i32, i32, i32) {
    %c0_i32 = arith.constant 0 : i32
    %c0_i32_0 = arith.constant 0 : i32
    %c0_i32_1 = arith.constant 0 : i32
    return %arg0, %c0_i32, %c0_i32_0 : i32, i32, i32
  }
  func.func @transform_5(%arg0: i32, %arg1: memref<4096xi32, #tpu.memory_space<smem>>) -> (i32, i32, i32) {
    %c0_i32 = arith.constant 0 : i32
    %c0_i32_0 = arith.constant 0 : i32
    %c0_i32_1 = arith.constant 0 : i32
    return %arg0, %c0_i32, %c0_i32_0 : i32, i32, i32
  }
  func.func @transform_6(%arg0: i32, %arg1: memref<4096xi32, #tpu.memory_space<smem>>) -> (i32, i32, i32) {
    %c0_i32 = arith.constant 0 : i32
    %c0_i32_0 = arith.constant 0 : i32
    %c0_i32_1 = arith.constant 0 : i32
    return %arg0, %c0_i32, %c0_i32_0 : i32, i32, i32
  }
  func.func @transform_7(%arg0: i32, %arg1: memref<4096xi32, #tpu.memory_space<smem>>) -> (i32, i32, i32) {
    %c0_i32 = arith.constant 0 : i32
    %c0_i32_0 = arith.constant 0 : i32
    %c0_i32_1 = arith.constant 0 : i32
    return %arg0, %c0_i32, %c0_i32_0 : i32, i32, i32
  }
  func.func @transform_8(%arg0: i32, %arg1: memref<4096xi32, #tpu.memory_space<smem>>) -> (i32, i32) {
    %c0_i32 = arith.constant 0 : i32
    %c0_i32_0 = arith.constant 0 : i32
    %c0_i32_1 = arith.constant 0 : i32
    return %c0_i32, %c0_i32_0 : i32, i32
  }
}

</mosaic_0001>

<sc_bundles>
// kernel: kernel.5.cloned.1.call-start
scs
__scs_entry_jumppad:
0x0: {  	(pc) =	sbr.rel $0x88, $3  }
0x1: {  	(tag) =	ssettag $0x0;
	lr =	simm.s32 $0x1  }
0x2: {  	[smem:$0x3F99] =	sst lr;
	_ =	strace $0xD0000000  }
0x3: {  	_ = 	snop  }
0x4: {  	_ = 	snop  }
0x5: {  	_ = 	snop  }
0x6: {  	_ = 	snop  }
0x7: {  	_ = 	snop  }
__scs_overlays_trampoline_lowered:
0x8: {  	[smem:$0x3FA8] =	sst s0  }
0x9: {  	[smem:$0x3FA9] =	sst s1  }
0xa: {  	[smem:$0x3FAA] =	sst s2  }
0xb: {  	[smem:$0x3FAB] =	sst s3  }
0xc: {  	[smem:$0x3FAC] =	sst s4  }
0xd: {  	[smem:$0x3FAD] =	sst s5  }
0xe: {  	[smem:$0x3FAE] =	sst s6  }
0xf: {  	[smem:$0x3FAF] =	sst s7  }
0x10: {  	[smem:$0x3FB0] =	sst s8  }
0x11: {  	[smem:$0x3FB1] =	sst s9;
	s0 =	simm.s32 @!p0 $0x0  }
0x12: {  	s1 =	sld [smem:$0x3F97];
	s0 =	simm.s32 @p0 $0x1  }
0x13: {  	[smem:$0x3FB2] =	sst s0;
	s0 =	simm.s32 @!p1 $0x0  }
0x14: {  	s2 =	sld [smem:$0x3F96];
	s0 =	simm.s32 @p1 $0x1  }
0x15: {  	[smem:$0x3FB3] =	sst s0;
	s0 =	simm.s32 @!p2 $0x0  }
0x16: {  	s3 =	sld [smem:$0x3FDB];
	s0 =	simm.s32 @p2 $0x1  }
0x17: {  	s4 =	simm.s32 $0x1BF5;
	[smem:$0x3FB5] =	sst s0  }
0x18: {  	s0 =	sld [smem:$0x3F98];
	_ =	swait.ge [sflag:s4], $0x0  }
0x19: {  	s7 =	sld [smem:$0x3F99]  }
0x1a: {  	s8 =	sadd.s32 $0xFFFFE003, lr  }
0x1b: {  	s9 =	sadd.s32 $0xFFFFFEF7, lr;
	s5 =	simm.s32 $0xFFFFFFFF;
	p2 =	slt.u32 s8, $0xFFFFF086  }
0x1c: {  	p1 =	slt.u32 s9, $0xF7A;
	s5 =	simm.s32 @!p2 $0x0  }
0x1d: {  	s5 =	simm.s32 @p1 $0x1;
	p0 =	seq.s32 s7, s2  }
0x1e: {  	s7 =	smul.u32 @!p0 $0xF7A, s2;
	p2 =	seq.s32 @!p0 s5, $0x0  }
0x1f: {  	s9 =	smul.u32 $0xF7A, s1;
	s8 =	simm.s32 @!p0 $0x1BF5;
	p2 =	por !p2, p0  }
0x20: {  	[sflag:s8] =	ssyncset.s32 @!p0 $0xFFFFF086;
	s6 =	sadd.s32 @!p0 s3, s7;
	s7 =	simm.s32 @!p0 $0x108  }
0x21: {  	s3 =	sadd.s32 s3, s9;
	s6 =	sadd.s32 @!p0 $0x88, s6;
	s7 =	simm.s32 @p2 $0x1082  }
0x22: {  	[simem:s7], [sflag:s8] =	dma.local @!p0 [hbm:s6], $0xF7A  }
0x23: {  	s9 =	sor.u32 $0xD0000000, s2;
	s6 =	simm.s32 $0x108;
	_ =	swait.ge @!p0 [sflag:s8], $0x0  }
0x24: {  	s3 =	sadd.s32 $0x88, s3;
	s6 =	simm.s32 @!p1 $0x1082;
	[sflag:s4] =	ssyncset.s32 $0xFFFFF086  }
0x25: {  	[simem:s6], [sflag:s4] =	dma.local [hbm:s3], $0xF7A  }
0x26: {  	[smem:$0x3F99] =	sst s1;
	(tag) =	ssettag s2;
	_ =	strace s9  }
0x27: {  	s1 =	sld [smem:$0x3FA9]  }
0x28: {  	s2 =	sld [smem:$0x3FAA]  }
0x29: {  	s4 =	sld [smem:$0x3FAC]  }
0x2a: {  	p0 =	seq.s32 s5, $0x0;
	s5 =	sld [smem:$0x3FAD]  }
0x2b: {  	s6 =	sld [smem:$0x3FAE]  }
0x2c: {  	s7 =	sld [smem:$0x3FAF]  }
0x2d: {  	s3 =	simm.s32 $0x108;
	s8 =	sld [smem:$0x3FB0]  }
0x2e: {  	s3 =	simm.s32 @!p0 $0x1082;
	s9 =	sld [smem:$0x3FB1]  }
0x2f: {  	lr =	sadd.s32 s0, s3;
	s0 =	sld [smem:$0x3FA8]  }
0x30: {  	s3 =	sld [smem:$0x3FAB]  }
0x31: {  	[smem:$0x3FB4] =	sst s10  }
0x32: {  	s10 =	sld [smem:$0x3FB2];
	_ =	sdelay $0x3  }
0x33: {  	p0 =	seq.s32 s10, $0x1;
	s10 =	sld [smem:$0x3FB4];
	_ =	sdelay $0x3  }
0x34: {  	[smem:$0x3FB4] =	sst s10  }
0x35: {  	s10 =	sld [smem:$0x3FB3];
	_ =	sdelay $0x3  }
0x36: {  	p1 =	seq.s32 s10, $0x1;
	s10 =	sld [smem:$0x3FB4];
	_ =	sdelay $0x3  }
0x37: {  	[smem:$0x3FB4] =	sst s10  }
0x38: {  	s10 =	sld [smem:$0x3FB5]  }
0x39: {  	_ = 	snop;
	(pc) =	sbr.ind lr, $3  }
0x3a: {  	_ = 	snop  }
0x3b: {  	_ = 	snop  }
0x3c: {  	p2 =	seq.s32 s10, $0x1;
	s10 =	sld [smem:$0x3FB4]  }
0x3d: {  	_ =	shalt  }
0x3e: {  	_ =	shalt  }
0x3f: {  	_ =	shalt  }
0x40: {  	_ =	shalt  }
0x41: {  	_ =	shalt  }
0x42: {  	_ =	shalt  }
0x43: {  	_ =	shalt  }
0x44: {  	_ =	shalt  }
0x45: {  	_ =	shalt  }
0x46: {  	_ =	shalt  }
0x47: {  	_ =	shalt  }
0x48: {  	_ =	shalt  }
0x49: {  	_ =	shalt  }
0x4a: {  	_ =	shalt  }
0x4b: {  	_ =	shalt  }
0x4c: {  	_ =	shalt  }
0x4d: {  	_ =	shalt  }
0x4e: {  	_ =	shalt  }
0x4f: {  	_ =	shalt  }
0x50: {  	_ =	shalt  }
0x51: {  	_ =	shalt  }
0x52: {  	_ =	shalt  }
0x53: {  	_ =	shalt  }
0x54: {  	_ =	shalt  }
0x55: {  	_ =	shalt  }
0x56: {  	_ =	shalt  }
0x57: {  	_ =	shalt  }
0x58: {  	_ =	shalt  }
0x59: {  	_ =	shalt  }
0x5a: {  	_ =	shalt  }
0x5b: {  	_ =	shalt  }
0x5c: {  	_ =	shalt  }
0x5d: {  	_ =	shalt  }
0x5e: {  	_ =	shalt  }
0x5f: {  	_ =	shalt  }
0x60: {  	_ =	shalt  }
0x61: {  	_ =	shalt  }
0x62: {  	_ =	shalt  }
0x63: {  	_ =	shalt  }
0x64: {  	_ =	shalt  }
0x65: {  	_ =	shalt  }
0x66: {  	_ =	shalt  }
0x67: {  	_ =	shalt  }
0x68: {  	_ =	shalt  }
0x69: {  	_ =	shalt  }
0x6a: {  	_ =	shalt  }
0x6b: {  	_ =	shalt  }
0x6c: {  	_ =	shalt  }
0x6d: {  	_ =	shalt  }
0x6e: {  	_ =	shalt  }
0x6f: {  	_ =	shalt  }
0x70: {  	_ =	shalt  }
0x71: {  	_ =	shalt  }
0x72: {  	_ =	shalt  }
0x73: {  	_ =	shalt  }
0x74: {  	_ =	shalt  }
0x75: {  	_ =	shalt  }
0x76: {  	_ =	shalt  }
0x77: {  	_ =	shalt  }
0x78: {  	_ =	shalt  }
0x79: {  	_ =	shalt  }
0x7a: {  	_ =	shalt  }
0x7b: {  	_ =	shalt  }
0x7c: {  	_ =	shalt  }
0x7d: {  	_ =	shalt  }
0x7e: {  	_ =	shalt  }
0x7f: {  	_ =	shalt  }
0x80: {  	_ =	shalt  }
0x81: {  	_ =	shalt  }
0x82: {  	_ =	shalt  }
0x83: {  	_ =	shalt  }
0x84: {  	_ =	shalt  }
0x85: {  	_ =	shalt  }
0x86: {  	_ =	shalt  }
0x87: {  	_ =	shalt  }
.Lfunc_end0:
.L_simem_size_0:
called_computation_lowered:
.L_overlay_start_0:
0x88: {  	s2 =	sld [smem:$0x3FD9]  }
0x89: {  	s3 =	sld [smem:$0x3FFE];
	_ =	sdelay $0x1  }
0x8a: {  	s1 =	srdreg.scid  }
0x8b: {  	s0 =	sand.u32 $0x1, s1  }
0x8c: {  	s14 =	sshll.u32 s0, $0xA;
	s2 =	sadd.s32 s3, s2  }
0x8d: {  	s2 =	sadd.s32 s2, s14  }
0x8e: {  	[smem:$0x3FC0] =	sst s2  }
0x8f: {  	_ = 	snop  }
0x90: {  	s2 =	sld [smem:$0x3FD0];
	_ =	sdelay $0x2  }
0x91: {  	s4 =	simm.s32 $0xA;
	s5 =	simm.s32 $0x10;
	s15 =	sld [smem:$0x3FC9]  }
0x92: {  	[smem:s5], [sflag:s4] =	dma.local [hbm:s2], $0x1  }
0x93: {  	_ =	swait.eq [sflag:s4], $0x1  }
0x94: {  	[sflag:s4] =	ssyncset.done $0x0  }
0x95: {  	[sflag:s4] =	ssyncadd.s32 $0xFFFFFFFF  }
0x96: {  	s16 =	sld [smem:$0x10];
	(tm) =	ssettm $0x1  }
0x97: {  	s17 =	sld [smem:$0x3FFB];
	_ =	sdelay $0x3  }
0x98: {  	_ =	strace s17  }
0x99: {  	s4 =	sld [smem:$0x3FFC];
	_ =	sdelay $0x3  }
0x9a: {  	_ =	strace s4  }
0x9b: {  	s4 =	sld [smem:$0x3FFD];
	_ =	sdelay $0x3  }
0x9c: {  	_ =	strace s4  }
0x9d: {  	_ =	strace $0x8FFFFFFF  }
0x9e: {  	s18 =	sld [smem:$0x3FDB];
	_ =	sdelay $0x1  }
0x9f: {  	s19 =	simm.s32 $_scs_section_size  }
0xa0: {  	s6 =	simm.s32 $_size__tile_overlayer_lowered;
	s7 =	simm.s32 $_tile_overlayer_lowered  }
0xa1: {  	s22 =	simm.s32 $0x1BFF;
	s21 =	sshll.u32 s7, $0x1;
	s4 =	sadd.s32 s19, s18  }
0xa2: {  	s8 =	simm.s32 $0x0;
	s20 =	sshll.u32 s6, $0x1;
	s6 =	sadd.s32 s21, s4  }
0xa3: {  	[timem:s8], [sflag:s22] =	dma.local [hbm:s6], s20  }
0xa4: {  	_ =	swait.ge [sflag:s22], s20  }
0xa5: {  	s5 =	ssub.s32 $0x0, s20;
	[sflag:s22] =	ssyncset.done $0x0  }
0xa6: {  	[sflag:s22] =	ssyncadd.s32 s5;
	_ =	sdelay $0x1  }
0xa7: {  	s23 =	simm.s32 $0x1B8B  }
0xa8: {  	_ =	swait.ge [sflag:s23], $0x1  }
0xa9: {  	[sflag:s23] =	ssyncset.done $0x0  }
0xaa: {  	s25 =	simm.s32 $0x1B8E;
	s24 =	sld [smem:$0x3FFE];
	[sflag:s23] =	ssyncadd.s32 $0xFFFFFFFF  }
0xab: {  	s26 =	simm.s32 $execute0_lowered;
	[smem:$0x3FD2] =	sst s25  }
0xac: {  	s6 =	sshll.u32 s26, $0x1;
	_ =	strace $0x80000046;
	[dreg:$0x1] =	wrdreg $0xFFFFFFFF  }
0xad: {  	s28 =	simm.s32 $_size_execute0_lowered;
	s4 =	sadd.s32 s4, s6;
	[dreg:$0x0] =	wrdreg $0x0  }
0xae: {  	s6 =	sshll.u32 s28, $0x1;
	[dreg:$0x2] =	wrdreg s4  }
0xaf: {  	[dreg:$0x3] =	wrdreg s6  }
0xb0: {  	[dreg:$0x4] =	wrdreg $0xC0  }
0xb1: {  	_ =	task [dreg:s8], $0x5FFFF  }
0xb2: {  	[dreg:$0x1] =	wrdreg $0xFFFFFFFF  }
0xb3: {  	[dreg:$0x0] =	wrdreg $0x60  }
0xb4: {  	[dreg:$0x2] =	wrdreg s24  }
0xb5: {  	[dreg:$0x3] =	wrdreg s15  }
0xb6: {  	[dreg:$0x4] =	wrdreg s16  }
0xb7: {  	[dreg:$0x5] =	wrdreg $0x9  }
0xb8: {  	_ =	task.clear_ibuf [dreg:s8], $0x6FFFF;
	_ =	strace $0x90000046  }
0xb9: {  	s29 =	simm.s32 $0x9;
	_ =	strace $0x80000048  }
0xba: {  	_ =	swait.ge [sflag:s29], $0x1  }
0xbb: {  	[sflag:s29] =	ssyncadd.s32 $0xFFFFFFFF  }
0xbc: {  	_ =	strace $0x90000048  }
0xbd: {  	_ =	sfence  }
0xbe: {  	s30 =	sld [smem:$0x0];
	_ =	sdelay $0x2  }
0xbf: {  	s31 =	sshll.u32 s1, $0xD;
	s1 =	sshrl.u32 s1, $0x2  }
0xc0: {  	s3 =	sand.u32 $0x4000, s31;
	s1 =	sadd.s32 s1, s30  }
0xc1: {  	s0 =	sor.u32 s3, s0;
	s1 =	sshll.u32 s1, $0x11  }
0xc2: {  	s0 =	sor.u32 s1, s0  }
0xc3: {  	s0 =	sadd.s32 $0x8F2B, s0  }
0xc4: {  	[sflag:s0] =	ssyncadd.remote.s32 $0x1  }
0xc5: {  	_ =	sfence.sel $0xFFFF  }
0xc6: {  	[dreg:$0x0] =	wrdreg $0xFFFFFFFF;
	(pc) =	sbr.abs _section_cstart, $3  }
0xc7: {  	[dreg:$0x1] =	wrdreg $0xFFFFFFFF  }
0xc8: {  	_ =	task.clear_ibuf [dreg:s8], $0x2FFFF;
	_ =	strace $0x9FFFFFFF  }
0xc9: {  	(tm) =	ssettm $0x7FFFFFFF  }
tec
execute0_lowered:
.L_overlay_start_1:
0x0: {  	(tag) =	ssettag $0x1  }
0x1: {  	s1 =	rddreg [dreg:$0x0]  }
0x2: {  	s3 =	srdreg.scid;
	s2 =	rddreg [dreg:$0x1]  }
0x3: {  	s5 =	rddreg [dreg:$0x2];
	s4 =	sand.u32 $0x1, s3;
	s3 =	simm.s32 $0x0  }
0x4: {  	s23 =	simm.s32 $0x880;
	[smem:$0x7FF] =	sst s3  }
0x5: {  	s24 =	simm.s32 $0x1080;
	_ =	strace $0x80000047;
	[dreg:$0x6] =	wrdreg s23  }
0x6: {  	s25 =	simm.s32 $0x1880;
	[dreg:$0x7] =	wrdreg s24  }
0x7: {  	s0 =	stileid.u32;
	s26 =	simm.s32 $0x2080;
	[dreg:$0x8] =	wrdreg s25  }
0x8: {  	s6 =	sshll.u32 s0, $0x5;
	s0 =	simm.s32 $0x2880;
	[dreg:$0x9] =	wrdreg s26  }
0x9: {  	s8 =	simm.s32 $0x4880;
	[dreg:$0xa] =	wrdreg s0  }
0xa: {  	s9 =	simm.s32 $0x5080;
	[dreg:$0xe] =	wrdreg s8  }
0xb: {  	s10 =	simm.s32 $0x5880;
	[dreg:$0xf] =	wrdreg s9  }
0xc: {  	s11 =	simm.s32 $0x6080;
	[dreg:$0x10] =	wrdreg s10  }
0xd: {  	s12 =	simm.s32 $0x6880;
	[dreg:$0x11] =	wrdreg s11  }
0xe: {  	s13 =	simm.s32 $0x7080;
	s14 =	simm.s32 $0x7880;
	[dreg:$0x12] =	wrdreg s12  }
0xf: {  	s15 =	simm.s32 $0x8080;
	s16 =	simm.s32 $0x8880;
	[dreg:$0x13] =	wrdreg s13  }
0x10: {  	s17 =	simm.s32 $0x9080;
	s19 =	simm.s32 $0x9880;
	[dreg:$0x14] =	wrdreg s14  }
0x11: {  	s21 =	simm.s32 $0xA080;
	s28 =	simm.s32 $0x16080;
	[dreg:$0x15] =	wrdreg s15  }
0x12: {  	s29 =	simm.s32 $0x16880;
	s30 =	simm.s32 $0x17080;
	[dreg:$0x16] =	wrdreg s16  }
0x13: {  	s31 =	simm.s32 $0x17880;
	s7 =	sshll.u32 s4, $0x4;
	[dreg:$0x17] =	wrdreg s17  }
0x14: {  	s4 =	ssub.s32 $0x2, s4;
	s6 =	sor.u32 s7, s6;
	[dreg:$0x18] =	wrdreg s19  }
0x15: {  	s7 =	simm.s32 $0x4080;
	s18 =	sshrl.u32 s4, $0x1;
	[dreg:$0x19] =	wrdreg s21  }
0x16: {  	s23 =	simm.s32 $0xB080;
	s24 =	simm.s32 $0xB880;
	s25 =	simm.s32 $0xC080  }
0x17: {  	s8 =	simm.s32 $0x80;
	s26 =	simm.s32 $0xC880;
	s10 =	simm.s32 $0xD880  }
0x18: {  	s11 =	simm.s32 $0xE080;
	s12 =	simm.s32 $0xE880;
	s13 =	simm.s32 $0xF080  }
0x19: {  	s14 =	simm.s32 $0xF880;
	s15 =	simm.s32 $0x10080;
	s16 =	simm.s32 $0x10880  }
0x1a: {  	s17 =	simm.s32 $0x11080;
	s19 =	simm.s32 $0x12080;
	[dreg:$0xd] =	wrdreg s7  }
0x1b: {  	s21 =	simm.s32 $0x13080;
	s1 =	sadd.s32 s6, s1;
	[dreg:$0x1b] =	wrdreg s23  }
0x1c: {  	s6 =	smul.u32 $0x300, s6;
	s20 =	ssub.s32 s4, s18;
	[dreg:$0x1c] =	wrdreg s24  }
0x1d: {  	s4 =	sadd.s32 $0x100, s2;
	s7 =	simm.s32 $0x2;
	[dreg:$0x1d] =	wrdreg s25  }
0x1e: {  	[dreg:$0x1e] =	wrdreg s26;
	s18 =	simm.s32 $0x11880;
	s1 =	sadd.s32 $0x1400, s1  }
0x1f: {  	s23 =	simm.s32 $0x14080;
	[dreg:$0x4] =	wrdreg s1;
	s22 =	sadd.s32 s5, s6  }
0x20: {  	s24 =	simm.s32 $0x14880;
	s5 =	simm.s32 $0x3080;
	[dreg:$0x5] =	wrdreg s22  }
0x21: {  	s25 =	simm.s32 $0x15080;
	s6 =	simm.s32 $0x3880;
	[dreg:$0xb] =	wrdreg s5  }
0x22: {  	v2 =	vlaneseq.u32;
	s26 =	simm.s32 $0x15880;
	s1 =	simm.s32 $0x1;
	[dreg:$0xc] =	wrdreg s6  }
0x23: {  	vm0 =	vmmov $0xffff;
	v1 =	vshrl.u32 v2, $0x3;
	s22 =	simm.s32 $0xA880;
	s5 =	sadd.s32 $0x200, s2;
	s6 =	smax.u32 s20, $0x1  }
0x24: {  	v0 =	vand.u32 $0x7, v2;
	v2 =	vor.u32 $0x8, v2;
	v1 =	vmul.u32 $0x8, v1;
	s20 =	simm.s32 $0x12880;
	[dreg:$0x1a] =	wrdreg s22;
	s22 =	simm.s32 $0x13880  }
.LBB2_1:
0x25: {  	s0 =	rddreg [dreg:$0x4]  }
0x26: {  	[tilespmem:s3], [sflag:$0x2] =	stream.linear.gather [hbm4b:s0+s3], $0x80, $0x38;
	[tilespmem:$0x18080] =	vst v63  }
0x27: {  	_ =	swait.ge [sflag:s7], $0x80  }
0x28: {  	[sflag:s7] =	ssyncset.done $0x0  }
0x29: {  	[sflag:s7] =	ssyncadd.s32 $0xFFFFFF80  }
0x2a: {  	v3 =	vld [tilespmem:$0x0];
	_ =	sdelay $0x4  }
0x2b: {  	v4 =	vshrl.u32 v3, $0x3  }
0x2c: {  	v4 =	vmul.u32 $0x30, v4  }
0x2d: {  	v3 =	vand.u32 $0x7, v3  }
0x2e: {  	v3 =	vor.u32 v3, v4  }
0x2f: {  	v4 =	vperm.xlane v3, v0;
	_ =	sdelay $0x1  }
0x30: {  	v4 =	vadd.s32 v1, v4;
	_ =	sdelay $0x3  }
0x31: {  	v3 =	vperm.xlane v3, v2  }
0x32: {  	[tilespmem:s8], [sflag:$0x1] =	stream.indirect_vreg.gather [hbm4b:s2+s3], $0x80, v4, vm0, $0xb8;
	[tilespmem:$0x18080] =	vst v63  }
0x33: {  	s0 =	rddreg [dreg:$0x6];
	v3 =	vadd.s32 v1, v3  }
0x34: {  	[tilespmem:s0], [sflag:$0x1] =	stream.indirect_vreg.gather [hbm4b:s4+s3], $0x80, v4, vm0, $0xb8;
	[tilespmem:$0x18080] =	vst v63  }
0x35: {  	s9 =	rddreg [dreg:$0x7]  }
0x36: {  	[tilespmem:s9], [sflag:$0x1] =	stream.indirect_vreg.gather [hbm4b:s5+s3], $0x80, v4, vm0, $0xb8;
	[tilespmem:$0x18080] =	vst v63  }
0x37: {  	s0 =	rddreg [dreg:$0x8]  }
0x38: {  	[tilespmem:s0], [sflag:$0x1] =	stream.indirect_vreg.gather [hbm4b:s2+s3], $0x80, v3, vm0, $0xb8;
	[tilespmem:$0x18080] =	vst v63  }
0x39: {  	s9 =	rddreg [dreg:$0x9]  }
0x3a: {  	[tilespmem:s9], [sflag:$0x1] =	stream.indirect_vreg.gather [hbm4b:s4+s3], $0x80, v3, vm0, $0xb8;
	[tilespmem:$0x18080] =	vst v63  }
0x3b: {  	s0 =	rddreg [dreg:$0xa]  }
0x3c: {  	[tilespmem:s0], [sflag:$0x1] =	stream.indirect_vreg.gather [hbm4b:s5+s3], $0x80, v3, vm0, $0xb8;
	[tilespmem:$0x18080] =	vst v63  }
0x3d: {  	v3 =	vld [tilespmem:$0x10];
	_ =	sdelay $0x4  }
0x3e: {  	v57 =	vshrl.u32 v3, $0x3  }
0x3f: {  	v4 =	vmul.u32 $0x30, v57  }
0x40: {  	v3 =	vand.u32 $0x7, v3  }
0x41: {  	v3 =	vor.u32 v3, v4  }
0x42: {  	v4 =	vperm.xlane v3, v0;
	_ =	sdelay $0x1  }
0x43: {  	v4 =	vadd.s32 v1, v4;
	_ =	sdelay $0x3  }
0x44: {  	s0 =	rddreg [dreg:$0xb];
	v3 =	vperm.xlane v3, v2  }
0x45: {  	[tilespmem:s0], [sflag:$0x1] =	stream.indirect_vreg.gather [hbm4b:s2+s3], $0x80, v4, vm0, $0xb8;
	[tilespmem:$0x18080] =	vst v63  }
0x46: {  	s9 =	rddreg [dreg:$0xc];
	v3 =	vadd.s32 v1, v3  }
0x47: {  	[tilespmem:s9], [sflag:$0x1] =	stream.indirect_vreg.gather [hbm4b:s4+s3], $0x80, v4, vm0, $0xb8;
	[tilespmem:$0x18080] =	vst v63  }
0x48: {  	s0 =	rddreg [dreg:$0xd]  }
0x49: {  	[tilespmem:s0], [sflag:$0x1] =	stream.indirect_vreg.gather [hbm4b:s5+s3], $0x80, v4, vm0, $0xb8;
	[tilespmem:$0x18080] =	vst v63  }
0x4a: {  	s9 =	rddreg [dreg:$0xe]  }
0x4b: {  	[tilespmem:s9], [sflag:$0x1] =	stream.indirect_vreg.gather [hbm4b:s2+s3], $0x80, v3, vm0, $0xb8;
	[tilespmem:$0x18080] =	vst v63  }
0x4c: {  	s0 =	rddreg [dreg:$0xf]  }
0x4d: {  	[tilespmem:s0], [sflag:$0x1] =	stream.indirect_vreg.gather [hbm4b:s4+s3], $0x80, v3, vm0, $0xb8;
	[tilespmem:$0x18080] =	vst v63  }
0x4e: {  	s9 =	rddreg [dreg:$0x10]  }
0x4f: {  	[tilespmem:s9], [sflag:$0x1] =	stream.indirect_vreg.gather [hbm4b:s5+s3], $0x80, v3, vm0, $0xb8;
	[tilespmem:$0x18080] =	vst v63  }
0x50: {  	v3 =	vld [tilespmem:$0x20];
	_ =	sdelay $0x4  }
0x51: {  	v58 =	vshrl.u32 v3, $0x3  }
0x52: {  	v4 =	vmul.u32 $0x30, v58  }
0x53: {  	v3 =	vand.u32 $0x7, v3  }
0x54: {  	v3 =	vor.u32 v3, v4  }
0x55: {  	v4 =	vperm.xlane v3, v0;
	_ =	sdelay $0x1  }
0x56: {  	v4 =	vadd.s32 v1, v4;
	_ =	sdelay $0x3  }
0x57: {  	s0 =	rddreg [dreg:$0x11];
	v3 =	vperm.xlane v3, v2  }
0x58: {  	[tilespmem:s0], [sflag:$0x1] =	stream.indirect_vreg.gather [hbm4b:s2+s3], $0x80, v4, vm0, $0xb8;
	[tilespmem:$0x18080] =	vst v63  }
0x59: {  	s9 =	rddreg [dreg:$0x12];
	v3 =	vadd.s32 v1, v3  }
0x5a: {  	[tilespmem:s9], [sflag:$0x1] =	stream.indirect_vreg.gather [hbm4b:s4+s3], $0x80, v4, vm0, $0xb8;
	[tilespmem:$0x18080] =	vst v63  }
0x5b: {  	s0 =	rddreg [dreg:$0x13]  }
0x5c: {  	[tilespmem:s0], [sflag:$0x1] =	stream.indirect_vreg.gather [hbm4b:s5+s3], $0x80, v4, vm0, $0xb8;
	[tilespmem:$0x18080] =	vst v63  }
0x5d: {  	s9 =	rddreg [dreg:$0x14]  }
0x5e: {  	[tilespmem:s9], [sflag:$0x1] =	stream.indirect_vreg.gather [hbm4b:s2+s3], $0x80, v3, vm0, $0xb8;
	[tilespmem:$0x18080] =	vst v63  }
0x5f: {  	s0 =	rddreg [dreg:$0x15]  }
0x60: {  	[tilespmem:s0], [sflag:$0x1] =	stream.indirect_vreg.gather [hbm4b:s4+s3], $0x80, v3, vm0, $0xb8;
	[tilespmem:$0x18080] =	vst v63  }
0x61: {  	s9 =	rddreg [dreg:$0x16]  }
0x62: {  	[tilespmem:s9], [sflag:$0x1] =	stream.indirect_vreg.gather [hbm4b:s5+s3], $0x80, v3, vm0, $0xb8;
	[tilespmem:$0x18080] =	vst v63  }
0x63: {  	v3 =	vld [tilespmem:$0x30];
	_ =	sdelay $0x4  }
0x64: {  	v59 =	vshrl.u32 v3, $0x3  }
0x65: {  	v4 =	vmul.u32 $0x30, v59  }
0x66: {  	v3 =	vand.u32 $0x7, v3  }
0x67: {  	v3 =	vor.u32 v3, v4  }
0x68: {  	v4 =	vperm.xlane v3, v0;
	_ =	sdelay $0x1  }
0x69: {  	v4 =	vadd.s32 v1, v4;
	_ =	sdelay $0x3  }
0x6a: {  	s0 =	rddreg [dreg:$0x17];
	v3 =	vperm.xlane v3, v2  }
0x6b: {  	[tilespmem:s0], [sflag:$0x1] =	stream.indirect_vreg.gather [hbm4b:s2+s3], $0x80, v4, vm0, $0xb8;
	[tilespmem:$0x18080] =	vst v63  }
0x6c: {  	s9 =	rddreg [dreg:$0x18];
	v3 =	vadd.s32 v1, v3  }
0x6d: {  	[tilespmem:s9], [sflag:$0x1] =	stream.indirect_vreg.gather [hbm4b:s4+s3], $0x80, v4, vm0, $0xb8;
	[tilespmem:$0x18080] =	vst v63  }
0x6e: {  	s0 =	rddreg [dreg:$0x19]  }
0x6f: {  	[tilespmem:s0], [sflag:$0x1] =	stream.indirect_vreg.gather [hbm4b:s5+s3], $0x80, v4, vm0, $0xb8;
	[tilespmem:$0x18080] =	vst v63  }
0x70: {  	s9 =	rddreg [dreg:$0x1a]  }
0x71: {  	[tilespmem:s9], [sflag:$0x1] =	stream.indirect_vreg.gather [hbm4b:s2+s3], $0x80, v3, vm0, $0xb8;
	[tilespmem:$0x18080] =	vst v63  }
0x72: {  	s0 =	rddreg [dreg:$0x1b]  }
0x73: {  	[tilespmem:s0], [sflag:$0x1] =	stream.indirect_vreg.gather [hbm4b:s4+s3], $0x80, v3, vm0, $0xb8;
	[tilespmem:$0x18080] =	vst v63  }
0x74: {  	s9 =	rddreg [dreg:$0x1c]  }
0x75: {  	[tilespmem:s9], [sflag:$0x1] =	stream.indirect_vreg.gather [hbm4b:s5+s3], $0x80, v3, vm0, $0xb8;
	[tilespmem:$0x18080] =	vst v63  }
0x76: {  	v3 =	vld [tilespmem:$0x40];
	_ =	sdelay $0x4  }
0x77: {  	v60 =	vshrl.u32 v3, $0x3  }
0x78: {  	v4 =	vmul.u32 $0x30, v60  }
0x79: {  	v3 =	vand.u32 $0x7, v3  }
0x7a: {  	v3 =	vor.u32 v3, v4  }
0x7b: {  	v4 =	vperm.xlane v3, v0;
	_ =	sdelay $0x1  }
0x7c: {  	v4 =	vadd.s32 v1, v4;
	_ =	sdelay $0x3  }
0x7d: {  	s0 =	rddreg [dreg:$0x1d];
	v3 =	vperm.xlane v3, v2  }
0x7e: {  	[tilespmem:s0], [sflag:$0x1] =	stream.indirect_vreg.gather [hbm4b:s2+s3], $0x80, v4, vm0, $0xb8;
	[tilespmem:$0x18080] =	vst v63  }
0x7f: {  	s9 =	rddreg [dreg:$0x1e];
	v3 =	vadd.s32 v1, v3  }
0x80: {  	[tilespmem:s9], [sflag:$0x1] =	stream.indirect_vreg.gather [hbm4b:s4+s3], $0x80, v4, vm0, $0xb8;
	[tilespmem:$0x18080] =	vst v63  }
0x81: {  	s9 =	simm.s32 $0xD080  }
0x82: {  	[tilespmem:s9], [sflag:$0x1] =	stream.indirect_vreg.gather [hbm4b:s5+s3], $0x80, v4, vm0, $0xb8;
	[tilespmem:$0x18080] =	vst v63  }
0x83: {  	_ = 	snop  }
0x84: {  	[tilespmem:s10], [sflag:$0x1] =	stream.indirect_vreg.gather [hbm4b:s2+s3], $0x80, v3, vm0, $0xb8;
	[tilespmem:$0x18080] =	vst v63  }
0x85: {  	_ = 	snop  }
0x86: {  	[tilespmem:s11], [sflag:$0x1] =	stream.indirect_vreg.gather [hbm4b:s4+s3], $0x80, v3, vm0, $0xb8;
	[tilespmem:$0x18080] =	vst v63  }
0x87: {  	_ = 	snop  }
0x88: {  	[tilespmem:s12], [sflag:$0x1] =	stream.indirect_vreg.gather [hbm4b:s5+s3], $0x80, v3, vm0, $0xb8;
	[tilespmem:$0x18080] =	vst v63  }
0x89: {  	v3 =	vld [tilespmem:$0x50];
	_ =	sdelay $0x4  }
0x8a: {  	v61 =	vshrl.u32 v3, $0x3  }
0x8b: {  	v4 =	vmul.u32 $0x30, v61  }
0x8c: {  	v3 =	vand.u32 $0x7, v3  }
0x8d: {  	v3 =	vor.u32 v3, v4  }
0x8e: {  	v4 =	vperm.xlane v3, v0;
	_ =	sdelay $0x1  }
0x8f: {  	v4 =	vadd.s32 v1, v4;
	_ =	sdelay $0x3  }
0x90: {  	v3 =	vperm.xlane v3, v2  }
0x91: {  	[tilespmem:s13], [sflag:$0x1] =	stream.indirect_vreg.gather [hbm4b:s2+s3], $0x80, v4, vm0, $0xb8;
	[tilespmem:$0x18080] =	vst v63  }
0x92: {  	v3 =	vadd.s32 v1, v3  }
0x93: {  	[tilespmem:s14], [sflag:$0x1] =	stream.indirect_vreg.gather [hbm4b:s4+s3], $0x80, v4, vm0, $0xb8;
	[tilespmem:$0x18080] =	vst v63  }
0x94: {  	_ = 	snop  }
0x95: {  	[tilespmem:s15], [sflag:$0x1] =	stream.indirect_vreg.gather [hbm4b:s5+s3], $0x80, v4, vm0, $0xb8;
	[tilespmem:$0x18080] =	vst v63  }
0x96: {  	_ = 	snop  }
0x97: {  	[tilespmem:s16], [sflag:$0x1] =	stream.indirect_vreg.gather [hbm4b:s2+s3], $0x80, v3, vm0, $0xb8;
	[tilespmem:$0x18080] =	vst v63  }
0x98: {  	_ = 	snop  }
0x99: {  	[tilespmem:s17], [sflag:$0x1] =	stream.indirect_vreg.gather [hbm4b:s4+s3], $0x80, v3, vm0, $0xb8;
	[tilespmem:$0x18080] =	vst v63  }
0x9a: {  	_ = 	snop  }
0x9b: {  	[tilespmem:s18], [sflag:$0x1] =	stream.indirect_vreg.gather [hbm4b:s5+s3], $0x80, v3, vm0, $0xb8;
	[tilespmem:$0x18080] =	vst v63  }
0x9c: {  	v3 =	vld [tilespmem:$0x60];
	_ =	sdelay $0x4  }
0x9d: {  	v62 =	vshrl.u32 v3, $0x3  }
0x9e: {  	v4 =	vmul.u32 $0x30, v62  }
0x9f: {  	v3 =	vand.u32 $0x7, v3  }
0xa0: {  	v3 =	vor.u32 v3, v4  }
0xa1: {  	v4 =	vperm.xlane v3, v0;
	_ =	sdelay $0x1  }
0xa2: {  	v4 =	vadd.s32 v1, v4;
	_ =	sdelay $0x3  }
0xa3: {  	v3 =	vperm.xlane v3, v2  }
0xa4: {  	[tilespmem:s19], [sflag:$0x1] =	stream.indirect_vreg.gather [hbm4b:s2+s3], $0x80, v4, vm0, $0xb8;
	[tilespmem:$0x18080] =	vst v63  }
0xa5: {  	v3 =	vadd.s32 v1, v3  }
0xa6: {  	[tilespmem:s20], [sflag:$0x1] =	stream.indirect_vreg.gather [hbm4b:s4+s3], $0x80, v4, vm0, $0xb8;
	[tilespmem:$0x18080] =	vst v63  }
0xa7: {  	_ = 	snop  }
0xa8: {  	[tilespmem:s21], [sflag:$0x1] =	stream.indirect_vreg.gather [hbm4b:s5+s3], $0x80, v4, vm0, $0xb8;
	[tilespmem:$0x18080] =	vst v63  }
0xa9: {  	_ = 	snop  }
0xaa: {  	[tilespmem:s22], [sflag:$0x1] =	stream.indirect_vreg.gather [hbm4b:s2+s3], $0x80, v3, vm0, $0xb8;
	[tilespmem:$0x18080] =	vst v63  }
0xab: {  	_ = 	snop  }
0xac: {  	[tilespmem:s23], [sflag:$0x1] =	stream.indirect_vreg.gather [hbm4b:s4+s3], $0x80, v3, vm0, $0xb8;
	[tilespmem:$0x18080] =	vst v63  }
0xad: {  	_ = 	snop  }
0xae: {  	[tilespmem:s24], [sflag:$0x1] =	stream.indirect_vreg.gather [hbm4b:s5+s3], $0x80, v3, vm0, $0xb8;
	[tilespmem:$0x18080] =	vst v63  }
0xaf: {  	v3 =	vld [tilespmem:$0x70];
	_ =	sdelay $0x4  }
0xb0: {  	v63 =	vshrl.u32 v3, $0x3  }
0xb1: {  	v4 =	vmul.u32 $0x30, v63  }
0xb2: {  	v3 =	vand.u32 $0x7, v3  }
0xb3: {  	v3 =	vor.u32 v3, v4  }
0xb4: {  	v4 =	vperm.xlane v3, v0;
	_ =	sdelay $0x1  }
0xb5: {  	v4 =	vadd.s32 v1, v4;
	_ =	sdelay $0x3  }
0xb6: {  	v3 =	vperm.xlane v3, v2  }
0xb7: {  	[tilespmem:s25], [sflag:$0x1] =	stream.indirect_vreg.gather [hbm4b:s2+s3], $0x80, v4, vm0, $0xb8;
	[tilespmem:$0x18080] =	vst v63  }
0xb8: {  	v3 =	vadd.s32 v1, v3  }
0xb9: {  	[tilespmem:s26], [sflag:$0x1] =	stream.indirect_vreg.gather [hbm4b:s4+s3], $0x80, v4, vm0, $0xb8;
	[tilespmem:$0x18080] =	vst v63  }
0xba: {  	_ = 	snop  }
0xbb: {  	[tilespmem:s28], [sflag:$0x1] =	stream.indirect_vreg.gather [hbm4b:s5+s3], $0x80, v4, vm0, $0xb8;
	[tilespmem:$0x18080] =	vst v63  }
0xbc: {  	_ = 	snop  }
0xbd: {  	[tilespmem:s29], [sflag:$0x1] =	stream.indirect_vreg.gather [hbm4b:s2+s3], $0x80, v3, vm0, $0xb8;
	[tilespmem:$0x18080] =	vst v63  }
0xbe: {  	_ = 	snop  }
0xbf: {  	[tilespmem:s30], [sflag:$0x1] =	stream.indirect_vreg.gather [hbm4b:s4+s3], $0x80, v3, vm0, $0xb8;
	[tilespmem:$0x18080] =	vst v63  }
0xc0: {  	_ = 	snop  }
0xc1: {  	[tilespmem:s31], [sflag:$0x1] =	stream.indirect_vreg.gather [hbm4b:s5+s3], $0x80, v3, vm0, $0xb8;
	[tilespmem:$0x18080] =	vst v63  }
0xc2: {  	_ =	swait.ge [sflag:s1], $0x18000  }
0xc3: {  	p0 =	sne.s32 s6, $0x1;
	[sflag:s1] =	ssyncset.done $0x0  }
.Ltmp0:
0xc4: {  	s9 =	rddreg [dreg:$0x5];
	[sflag:s1] =	ssyncadd.s32 $0xFFFE8000;
	(pc) =	sbr.rel @p0 .LBB2_1-.Ltmp0, $4  }
0xc5: {  	[hbm4b:s9+s3] =	stream.linear.scatter [tilespmem:s8], [sflag:$0x2], $0x18000, $0x38;
	[tilespmem:$0x18080] =	vst v63  }
0xc6: {  	_ =	swait.ge [sflag:s7], $0x18000  }
0xc7: {  	[sflag:s7] =	ssyncset.done $0x0  }
0xc8: {  	s6 =	sadd.s32 $0xFFFFFFFF, s6;
	[sflag:s7] =	ssyncadd.s32 $0xFFFE8000  }
0xc9: {  	_ =	sfence.sel $0x180000  }
0xca: {  	[bflag:$0x0] =	sbarrier.arrive $0xFFFF  }
0xcb: {  	_ =	strace $0x90000047  }
0xcc: {  	s0 =	stileid.u32;
	[bflag:$0x2] =	sbarrier.arrive $0xFFFF  }
0xcd: {  	p0 =	sne.s32 s0, $0x0;
	s0 =	rddreg [dreg:$0x3]  }
0xce: {  	s0 =	sadd.s32 @!p0 $0x100000, s0  }
0xcf: {  	[sflag:s0] =	ssyncadd.tile.s32 @!p0 $0x1;
	_ =	shalt  }
.Lfunc_end2:
_tile_overlayer_lowered:
.L_overlay_start_2:
0xd0: {  	(tag) =	ssettag $0x2  }
0xd1: {  	s0 =	rddreg [dreg:$0x0];
	s2 =	stileid.u32  }
0xd2: {  	s1 =	rddreg [dreg:$0x1];
	p0 =	sne.s32 s2, $0x0  }
0xd3: {  	s3 =	rddreg [dreg:$0x2];
	[bflag:$0x3] =	sbarrier.arrive $0xFFFF;
	s2 =	simm.s32 @!p0 $0x1C02  }
0xd4: {  	[timem:s3], [sflag:s2] =	dma.local @!p0 [hbm:s0], s1  }
0xd5: {  	s0 =	simm.s32 @!p0 $0x2  }
0xd6: {  	_ =	swait.ge @!p0 [sflag:s0], s1  }
0xd7: {  	s1 =	ssub.s32 @!p0 $0x0, s1;
	[sflag:s0] =	ssyncset.done @!p0 $0x0  }
0xd8: {  	[sflag:s0] =	ssyncadd.s32 @!p0 s1  }
0xd9: {  	[bflag:$0x3] =	sbarrier.arrive $0xFFFF  }
0xda: {  	_ =	shalt  }

</sc_bundles>
